<compile_context>
chip_gen: v7x
topology: tpu7x:2x2x1
jax: 0.10.2.dev20260603
libtpu: 0.0.44.dev20260713+nightly
codegen_flags: <defaults>
</compile_context>

<pallas_src>
import functools
import jax
import jax.numpy as jnp
import numpy as np
from jax.experimental import pallas as pl
from jax.experimental.pallas import tpu as pltpu
from jax.experimental.pallas import tpu_sc as plsc

_SIGMA = [0.5515909, 1.8886297, 1.3225029, 1.2316629, 2.1884933, 1.7750372,
          1.3677907, 1.3820058]
_A0 = 0.529177249
_NS = 8
_RC = 5.2

_ETAS_A = np.array([8.0, 16.0, 32.0, 64.0], np.float32)
_SHFS_A = np.linspace(0.9, 4.6, 8).astype(np.float32)
_ETAS_Q = np.array([4.0, 8.0, 12.0, 16.0, 24.0, 32.0, 48.0, 64.0], np.float32)
_SHFS_Q = np.linspace(0.9, 4.6, 8).astype(np.float32)

_N, _n = 64, 48
_MB = 8
_GRID = _N // _MB
_T = _N * _n
_B = 128
_NB = 32
_S = _NB * _B
_DD = 66
_BK = 1024
_HI = _T // _BK

_NC, _NSUB, _L = 2, 16, 16
_NW = _NC * _NSUB


def _celu(x):
    return jnp.where(x > 0, x, 0.1 * (jnp.exp(x / 0.1) - 1.0))


def _erf(x):
    t = 1.0 / (1.0 + 0.3275911 * x)
    poly = t * (0.254829592 + t * (-0.284496736 + t * (1.421413741 +
           t * (-1.453152027 + t * 1.061405429))))
    return 1.0 - poly * jnp.exp(-x * x)


def _basis(etas, shfs):
    K = len(etas) * len(shfs)
    kidx = jax.lax.broadcasted_iota(jnp.int32, (1, 1, 1, K), 3)
    ea = jnp.zeros((1, 1, 1, K), jnp.float32)
    sa = jnp.zeros((1, 1, 1, K), jnp.float32)
    for i, e in enumerate(etas):
        ea = ea + jnp.where(kidx // len(shfs) == i, float(e), 0.0)
    for i, s in enumerate(shfs):
        sa = sa + jnp.where(kidx % len(shfs) == i, float(s), 0.0)
    return ea, sa


def _unsort(pos, vals2d):
    blk = pos // _B
    off = pos % _B
    ohb = (blk[:, :, None] ==
           jax.lax.broadcasted_iota(jnp.int32, (_MB, _n, _NB), 2)
           ).astype(jnp.float32)
    sel = jnp.dot(ohb, vals2d, preferred_element_type=jnp.float32)
    g = (off[:, :, None] ==
         jax.lax.broadcasted_iota(jnp.int32, (_MB, _n, _B), 2)
         ).astype(jnp.float32)
    return jnp.sum(g * sel, axis=2)


def _geom_body(sp_ref, c_ref, aev_ref, J_ref, Qt_ref, C_ref, jii_ref):
    sp = sp_ref[...]
    x = c_ref[..., 0]
    y = c_ref[..., 1]
    z = c_ref[..., 2]
    dx = x[:, :, None] - x[:, None, :]
    dy = y[:, :, None] - y[:, None, :]
    dz = z[:, :, None] - z[:, None, :]
    d = jnp.sqrt(dx * dx + dy * dy + dz * dz + 1e-16)
    fc = jnp.where(d <= _RC, 0.5 * jnp.cos(jnp.pi * d / _RC) + 0.5, 0.0)
    ri = jax.lax.broadcasted_iota(jnp.int32, (_n, _n), 0)
    ci = jax.lax.broadcasted_iota(jnp.int32, (_n, _n), 1)
    offdiag = (ri != ci).astype(jnp.float32)
    fcm = fc * offdiag[None]

    kidx = jax.lax.broadcasted_iota(jnp.int32, (1, 1, 1, 96), 3)
    e96 = jnp.zeros((1, 1, 1, 96), jnp.float32)
    for i, e in enumerate(_ETAS_Q):
        e96 = e96 + jnp.where((kidx < 64) & (kidx // 8 == i), float(e), 0.0)
    for i, e in enumerate(_ETAS_A):
        e96 = e96 + jnp.where((kidx >= 64) & ((kidx - 64) // 8 == i),
                              float(e), 0.0)
    s96 = jnp.zeros((1, 1, 1, 96), jnp.float32)
    for j, s in enumerate(_SHFS_A):
        s96 = s96 + jnp.where(kidx % 8 == j, float(s), 0.0)
    t96 = jnp.exp(-e96 * (d[..., None] - s96) ** 2) * fcm[..., None]
    Qt_ref[...] = t96[..., :64]
    parts = []
    for s in range(_NS):
        ms = (sp == s).astype(jnp.float32)
        parts.append(jnp.sum(t96 * ms[:, None, :, None],
                             axis=2)[..., 64:])
    aev_ref[...] = jnp.concatenate(parts, axis=-1)

    sig = jnp.zeros_like(x)
    for s in range(_NS):
        sig = sig + (sp == s).astype(jnp.float32) * _SIGMA[s]
    jii_ref[...] = 1.0 / (np.sqrt(np.pi).astype(np.float32) * sig)

    dA = d / _A0
    ss = sig[:, :, None] ** 2 + sig[:, None, :] ** 2
    ss = jnp.where(ss < 1e-8, 1e-8, ss)
    J_ref[...] = _erf(dA / jnp.sqrt(2.0 * ss)) / dA * offdiag[None]

    screen = 1.0 / (1.0 + jnp.exp((-dA + 2.2) * 8.5))
    C_ref[...] = screen / dA * offdiag[None]


def _mlp_layers(h, w1_ref, b1_ref, w2_ref, b2_ref, w3_ref, b3_ref):
    h = _celu(jnp.dot(h, w1_ref[0], preferred_element_type=jnp.float32)
              + b1_ref[0])
    h = _celu(jnp.dot(h, w2_ref[0], preferred_element_type=jnp.float32)
              + b2_ref[0])
    return jnp.dot(h, w3_ref[0], preferred_element_type=jnp.float32) + b3_ref[0]


def _mlp_body_first(be_ref, xa_ref, w0_ref, b0_ref, w1_ref, b1_ref,
                    w2_ref, b2_ref, w3_ref, b3_ref, out_ref):
    w0 = w0_ref[0]
    h = _celu(jnp.dot(xa_ref[...], w0[:256],
                      preferred_element_type=jnp.float32) + b0_ref[0])
    out_ref[...] = _mlp_layers(h, w1_ref, b1_ref, w2_ref, b2_ref,
                               w3_ref, b3_ref)


def _mlp_body_dyn(be_ref, tok_ref, xa_ref, dyn_ref, w0_ref, b0_ref,
                  w1_ref, b1_ref, w2_ref, b2_ref, w3_ref, b3_ref, out_ref):
    tok = tok_ref[0]
    lo = tok % _BK
    hi = tok // _BK
    oh = (lo == jax.lax.broadcasted_iota(jnp.int32, (_B, _BK), 1)
          ).astype(jnp.float32)
    dyn3 = dyn_ref[...].reshape(_HI, _BK, _DD)
    xd = jnp.zeros((_B, _DD), jnp.float32)
    for h_i in range(_HI):
        term = jnp.dot(oh, dyn3[h_i], preferred_element_type=jnp.float32)
        xd = xd + jnp.where(hi == h_i, term, 0.0)

    w0 = w0_ref[0]
    acc = jnp.dot(xa_ref[...], w0[:256], preferred_element_type=jnp.float32)
    acc = acc + jnp.dot(xd, w0[256:322], preferred_element_type=jnp.float32)
    h = _celu(acc + b0_ref[0])
    out_ref[...] = _mlp_layers(h, w1_ref, b1_ref, w2_ref, b2_ref,
                               w3_ref, b3_ref)


def _update_body(chi2_ref, pos_ref, J_ref, Qt_ref, jii_ref, nq_ref,
                 q_ref, dyn_ref):
    chi = _unsort(pos_ref[...], chi2_ref[...])
    jii = jii_ref[...]
    inv = 1.0 / jii
    sumc = jnp.sum(chi * inv, axis=1, keepdims=True)
    denom = jnp.sum(inv, axis=1, keepdims=True)
    corr = (nq_ref[...] + sumc) / denom
    q = -inv * (chi - corr)
    q_ref[...] = q
    esp = jnp.sum(q[:, :, None] * J_ref[...], axis=1)
    qr = jnp.sum(Qt_ref[...] * q[:, None, :, None], axis=2)
    dyn_ref[...] = jnp.concatenate(
        [qr, q[:, :, None], esp[:, :, None]], axis=-1)


def _final_body(ae2_ref, pos_ref, q_ref, C_ref, out_ref):
    ae = _unsort(pos_ref[...], ae2_ref[...])
    q = q_ref[...]
    mol = jnp.sum(ae, axis=1, keepdims=True)
    pair = q[:, :, None] * q[:, None, :] * C_ref[...]
    elec = 0.5 * jnp.sum(pair, axis=(1, 2))
    out_ref[...] = mol + elec[:, None]


def _sc_gather_rows(table, idx, D):
    S = idx.shape[0]
    bpw = S // _NW
    mesh = plsc.VectorSubcoreMesh(core_axis_name="c", subcore_axis_name="s")

    @functools.partial(
        pl.kernel, mesh=mesh,
        out_type=jax.ShapeDtypeStruct((S, D), jnp.float32),
        scratch_types=[
            pltpu.VMEM((bpw,), jnp.int32),
            pltpu.VMEM((bpw, D), jnp.float32),
            pltpu.SemaphoreType.DMA,
        ],
    )
    def k(table_hbm, idx_hbm, out_hbm, idx_v, rows_v, sem):
        wid = jax.lax.axis_index("s") * _NC + jax.lax.axis_index("c")
        base = wid * bpw
        pltpu.sync_copy(idx_hbm.at[pl.ds(base, bpw)], idx_v)
        pltpu.async_copy(table_hbm.at[idx_v], rows_v, sem).wait()
        pltpu.sync_copy(rows_v, out_hbm.at[pl.ds(base, bpw)])

    return k(table, idx)


def _routing(spf):
    sid = jnp.arange(_NS, dtype=jnp.int32)
    oh = spf[None, :] == sid[:, None]
    counts = oh.sum(axis=1, dtype=jnp.int32)
    ranks = jnp.sum(jnp.where(oh, jnp.cumsum(oh, axis=1, dtype=jnp.int32) - 1,
                              0), axis=0)
    pad_blocks = (counts + _B - 1) // _B
    base_blk = jnp.concatenate([jnp.zeros((1,), jnp.int32),
                                jnp.cumsum(pad_blocks)[:-1]])
    base_slot = base_blk * _B
    token_slot = ranks + jnp.sum(jnp.where(oh, base_slot[:, None], 0), axis=0)
    slot_token = jnp.zeros((_S,), jnp.int32).at[token_slot].set(
        jnp.arange(_T, dtype=jnp.int32))
    blk = jnp.arange(_NB, dtype=jnp.int32)
    in_range = (blk[None, :] >= base_blk[:, None]) & \
               (blk[None, :] < (base_blk + pad_blocks)[:, None])
    block_expert = jnp.sum(jnp.where(in_range, sid[:, None], 0),
                           axis=0).astype(jnp.int32)
    return token_slot, slot_token, block_expert


def _spec(shape, idx):
    return pl.BlockSpec(shape, idx)


def _mlp_routed(block_expert, tok3, xa_s, dyn, params):
    first = dyn is None
    body = _mlp_body_first if first else _mlp_body_dyn
    x_specs = []
    args = []
    if not first:
        x_specs.append(_spec((1, _B, 1), lambda b, be: (b, 0, 0)))
        args.append(tok3)
    x_specs.append(_spec((_B, 256), lambda b, be: (b, 0)))
    args.append(xa_s)
    if not first:
        x_specs.append(_spec((_T, _DD), lambda b, be: (0, 0)))
        args.append(dyn)
    w_specs = [
        _spec((1, 322, 256), lambda b, be: (be[b], 0, 0)),
        _spec((1, 1, 256), lambda b, be: (be[b], 0, 0)),
        _spec((1, 256, 192), lambda b, be: (be[b], 0, 0)),
        _spec((1, 1, 192), lambda b, be: (be[b], 0, 0)),
        _spec((1, 192, 160), lambda b, be: (be[b], 0, 0)),
        _spec((1, 1, 160), lambda b, be: (be[b], 0, 0)),
        _spec((1, 160, 1), lambda b, be: (be[b], 0, 0)),
        _spec((1, 1, 1), lambda b, be: (be[b], 0, 0)),
    ]
    grid_spec = pltpu.PrefetchScalarGridSpec(
        num_scalar_prefetch=1,
        grid=(_NB,),
        in_specs=x_specs + w_specs,
        out_specs=_spec((_B, 1), lambda b, be: (b, 0)),
    )
    call = pl.pallas_call(
        body,
        grid_spec=grid_spec,
        out_shape=jax.ShapeDtypeStruct((_S, 1), jnp.float32),
    )
    w = params
    return call(block_expert, *args, w['W0'],
                w['b0'].reshape(_NS, 1, 256), w['W1'],
                w['b1'].reshape(_NS, 1, 192), w['W2'],
                w['b2'].reshape(_NS, 1, 160), w['W3'],
                w['b3'].reshape(_NS, 1, 1)).reshape(_NB, _B)


@jax.jit
def _run(species_i, coordinates, net_charge, chi_params, ani_params):
    f32 = jnp.float32

    geom = pl.pallas_call(
        _geom_body,
        grid=(_GRID,),
        in_specs=[
            _spec((_MB, _n), lambda i: (i, 0)),
            _spec((_MB, _n, 3), lambda i: (i, 0, 0)),
        ],
        out_specs=[
            _spec((_MB, _n, 256), lambda i: (i, 0, 0)),
            _spec((_MB, _n, _n), lambda i: (i, 0, 0)),
            _spec((_MB, _n, _n, 64), lambda i: (i, 0, 0, 0)),
            _spec((_MB, _n, _n), lambda i: (i, 0, 0)),
            _spec((_MB, _n), lambda i: (i, 0)),
        ],
        out_shape=[
            jax.ShapeDtypeStruct((_N, _n, 256), f32),
            jax.ShapeDtypeStruct((_N, _n, _n), f32),
            jax.ShapeDtypeStruct((_N, _n, _n, 64), f32),
            jax.ShapeDtypeStruct((_N, _n, _n), f32),
            jax.ShapeDtypeStruct((_N, _n), f32),
        ],
    )
    aev, J, Qt, C, jii = geom(species_i, coordinates)

    spf = species_i.reshape(_T)
    token_slot, slot_token, block_expert = _routing(spf)
    aev_s = _sc_gather_rows(aev.reshape(_T, 256), slot_token, 256)
    tok3 = slot_token.reshape(_NB, _B, 1)
    pos2 = token_slot.reshape(_N, _n)

    nq = net_charge.reshape(_N, 1)
    update = pl.pallas_call(
        _update_body,
        grid=(_GRID,),
        in_specs=[
            _spec((_NB, _B), lambda i: (0, 0)),
            _spec((_MB, _n), lambda i: (i, 0)),
            _spec((_MB, _n, _n), lambda i: (i, 0, 0)),
            _spec((_MB, _n, _n, 64), lambda i: (i, 0, 0, 0)),
            _spec((_MB, _n), lambda i: (i, 0)),
            _spec((_MB, 1), lambda i: (i, 0)),
        ],
        out_specs=[
            _spec((_MB, _n), lambda i: (i, 0)),
            _spec((_MB, _n, _DD), lambda i: (i, 0, 0)),
        ],
        out_shape=[
            jax.ShapeDtypeStruct((_N, _n), f32),
            jax.ShapeDtypeStruct((_N, _n, _DD), f32),
        ],
    )

    chi_s = _mlp_routed(block_expert, tok3, aev_s, None, chi_params)
    q, dyn = update(chi_s, pos2, J, Qt, jii, nq)

    chi_s = _mlp_routed(block_expert, tok3, aev_s, dyn.reshape(_T, _DD),
                        chi_params)
    q, dyn = update(chi_s, pos2, J, Qt, jii, nq)

    ae_s = _mlp_routed(block_expert, tok3, aev_s, dyn.reshape(_T, _DD),
                       ani_params)

    final = pl.pallas_call(
        _final_body,
        grid=(_GRID,),
        in_specs=[
            _spec((_NB, _B), lambda i: (0, 0)),
            _spec((_MB, _n), lambda i: (i, 0)),
            _spec((_MB, _n), lambda i: (i, 0)),
            _spec((_MB, _n, _n), lambda i: (i, 0, 0)),
        ],
        out_specs=_spec((_MB, 1), lambda i: (i, 0)),
        out_shape=jax.ShapeDtypeStruct((_N, 1), f32),
    )
    energy = final(ae_s, pos2, q, C).reshape(_N)
    return energy, q


def kernel(species, coordinates, net_charge, chi_params, ani_params):
    species_i = species.astype(jnp.int32)
    energy, q = _run(species_i, coordinates, net_charge, chi_params,
                     ani_params)
    return (species, energy, q)

# --- scband reference (transcript-rebuilt; emitter-appended) ---
"""Pipeline reference for scband-rnn-s-21878563406024 (READ-ONLY COPY).

The authoritative reference and input builder live on the scoring server;
editing this copy changes nothing except your own understanding.
"""

import jax, jax.numpy as jnp
import numpy as np

SIGMA = jnp.array([0.5515909, 1.8886297, 1.3225029, 1.2316629, 2.1884933, 1.7750372, 1.3677907, 1.3820058], dtype=jnp.float32)
A0 = 0.529177249
NUM_SPECIES = 8
RC = 5.2
ETAS_A = jnp.array([8.0, 16.0, 32.0, 64.0], dtype=jnp.float32)
SHFS_A = jnp.linspace(0.9, 4.6, 8).astype(jnp.float32)
ETAS_Q = jnp.array([4.0, 8.0, 12.0, 16.0, 24.0, 32.0, 48.0, 64.0], dtype=jnp.float32)
SHFS_Q = jnp.linspace(0.9, 4.6, 8).astype(jnp.float32)


def pairwise_dist(coords, eps=1e-16):
    diff = coords[:, :, None, :] - coords[:, None, :, :]
    return jnp.sqrt(jnp.sum(diff * diff, -1) + eps)


def cutoff_cosine(d, rc):
    return jnp.where(d <= rc, 0.5 * jnp.cos(jnp.pi * d / rc) + 0.5, 0.0)


def radial_terms(d, etas, shfs):
    ge, gs = jnp.meshgrid(etas, shfs, indexing='ij')
    e = ge.reshape(-1)
    s = gs.reshape(-1)
    fc = cutoff_cosine(d, RC)
    return jnp.exp(-e * (d[..., None] - s) ** 2) * fc[..., None]


def compute_aev(species, coordinates, pair_mask):
    d = pairwise_dist(coordinates)
    terms = radial_terms(d, ETAS_A, SHFS_A)
    n = species.shape[1]
    diag = 1.0 - jnp.eye(n, dtype=terms.dtype)
    terms = terms * (pair_mask * diag[None])[..., None]
    onehot = jax.nn.one_hot(species, NUM_SPECIES, dtype=terms.dtype)
    aev = jnp.einsum('bijk,bjs->bisk', terms, onehot)
    return aev.reshape(species.shape[0], n, -1)


def compute_radial_qaev(species, coordinates, charges, pair_mask):
    d = pairwise_dist(coordinates)
    terms = radial_terms(d, ETAS_Q, SHFS_Q)
    n = species.shape[1]
    diag = 1.0 - jnp.eye(n, dtype=terms.dtype)
    terms = terms * (pair_mask * diag[None])[..., None]
    return jnp.einsum('bijk,bj->bik', terms, charges)


def celu(x, alpha=0.1):
    return jnp.where(x > 0, x, alpha * (jnp.exp(x / alpha) - 1.0))


def apply_experts(feats, params, species_flat):
    h = celu(jnp.einsum('ti,eio->eto', feats, params['W0']) + params['b0'][:, None, :])
    h = celu(jnp.einsum('eti,eio->eto', h, params['W1']) + params['b1'][:, None, :])
    h = celu(jnp.einsum('eti,eio->eto', h, params['W2']) + params['b2'][:, None, :])
    out = (jnp.einsum('eti,eio->eto', h, params['W3']) + params['b3'][:, None, :])[..., 0]
    t = jnp.arange(out.shape[1])
    return out[species_flat, t]


def esperf(pair_mask, distances, charges, species):
    sig = SIGMA[species]
    ss = sig[:, None, :] ** 2 + sig[:, :, None] ** 2
    ss = jnp.where(ss < 1e-08, 1e-08, ss)
    j_ij = jax.scipy.special.erf(distances / jnp.sqrt(2.0 * ss)) / distances
    esp_mat = charges[..., None] * j_ij
    n = distances.shape[1]
    diag = (1.0 - jnp.eye(n, dtype=distances.dtype))[None]
    return (esp_mat * pair_mask * diag).sum(axis=-2)


def elect_screen(distances, a=2.2, b=8.5):
    return 1.0 / (1.0 + jnp.exp((-distances + a) * b))


def _forward(species, coordinates, net_charge, chi_params, ani_params):
    N, n = species.shape
    mask = species != -1
    padding_mask = mask.astype(jnp.float32)
    pair_mask = padding_mask[:, None, :] * padding_mask[:, :, None]
    aev = compute_aev(species, coordinates, pair_mask)
    distances = pairwise_dist(coordinates) / A0
    sig = SIGMA[species]
    jii = 1.0 / jnp.sqrt(jnp.pi) / sig
    species_flat = species.reshape(-1)
    aev_flat = aev.reshape(N * n, -1)
    pred_charges = jnp.zeros((N, n), dtype=jnp.float32)
    esp = jnp.zeros((N, n), dtype=jnp.float32)
    qraev = compute_radial_qaev(species, coordinates, pred_charges, pair_mask)
    for _ in range(2):
        feats = jnp.concatenate([aev_flat, qraev.reshape(N * n, -1), pred_charges.reshape(-1, 1), esp.reshape(-1, 1)], axis=1)
        chi = apply_experts(feats, chi_params, species_flat).reshape(N, n)
        corr = (net_charge + (chi / jii).sum(axis=1)) / ((1.0 / jii) * padding_mask).sum(axis=1)
        pred_charges = -1.0 / jii * (chi - corr[:, None]) * padding_mask
        esp = esperf(pair_mask, distances, pred_charges, species)
        qraev = compute_radial_qaev(species, coordinates, pred_charges, pair_mask)
    feats = jnp.concatenate([aev_flat, qraev.reshape(N * n, -1), pred_charges.reshape(-1, 1), esp.reshape(-1, 1)], axis=1)
    atomic_energies = apply_experts(feats, ani_params, species_flat).reshape(N, n)
    mol_energy = atomic_energies.sum(axis=1)
    charge_sq = pred_charges[:, :, None] * pred_charges[:, None, :] * pair_mask
    coulomb = charge_sq * elect_screen(distances) / distances
    elec_energy = jnp.triu(coulomb, k=1).sum(axis=(1, 2))
    return mol_energy + elec_energy, pred_charges


def _make_params(keys, dims):
    p = {}
    for li in range(4):
        fi, fo = dims[li], dims[li + 1]
        p['W%d' % li] = jax.random.normal(keys[2 * li], (NUM_SPECIES, fi, fo), dtype=jnp.float32) / np.sqrt(fi)
        p['b%d' % li] = jnp.zeros((NUM_SPECIES, fo), dtype=jnp.float32)
    return p


def setup_inputs(seed: int = 0) -> dict:
    key = jax.random.key(seed)
    ks = jax.random.split(key, 20)
    N, n = 64, 48
    species = jax.random.randint(ks[0], (N, n), 0, NUM_SPECIES)
    coordinates = jax.random.normal(ks[1], (N, n, 3), dtype=jnp.float32) * 4.0
    net_charge = jax.random.normal(ks[2], (N,), dtype=jnp.float32)
    dims = [322, 256, 192, 160, 1]
    chi_params = _make_params(ks[3:11], dims)
    ani_params = _make_params(ks[11:19], dims)
    return {'species': species, 'coordinates': coordinates, 'net_charge': net_charge, 'chi_params': chi_params, 'ani_params': ani_params}


def reference(species, coordinates, net_charge, chi_params, ani_params):
    energy, pred_charges = _forward(species, coordinates, net_charge, chi_params, ani_params)
    return (species, energy, pred_charges)

if __name__ == "__main__":
    import jax
    _d = setup_inputs()
    print(jax.jit(kernel)(*tuple(_d.values())))

</pallas_src>

<mosaic_0001>
#map = affine_map<(d0, d1) -> (0, 0)>
#map1 = affine_map<(d0, d1) -> (0)>
module attributes {stable_mosaic.version = 14 : i64} {
  func.func @k(%arg0: i32, %arg1: i32, %arg2: memref<3072x256xf32, #tpu.memory_space<hbm>>, %arg3: memref<4096xi32, #tpu.memory_space<hbm>>, %arg4: memref<4096x256xf32, #tpu.memory_space<hbm>>, %arg5: memref<128xi32, #tpu.memory_space<vmem>>, %arg6: memref<128x256xf32, #tpu.memory_space<vmem>>, %arg7: memref<!tpu.dma_semaphore, #tpu.memory_space<semaphore_mem>>) attributes {dimension_semantics = [#tpu.dimension_semantics<core_parallel>, #tpu.dimension_semantics<subcore_parallel>], iteration_bounds = array<i64: 2, 16>, scalar_prefetch = 0 : i64, scratch_operands = 3 : i64, tpu.core_type = #tpu.core_type<sc_vector_subcore>, window_params = [{transform_indices = #map}, {transform_indices = #map1}, {transform_indices = #map}]} {
    %mul3A = arith.constant 2 : i32
    %mul3A_0 = arith.muli %arg1, %mul3A : i32
    %add3A = arith.addi %mul3A_0, %arg0 : i32
    %mul3A_1 = arith.constant 128 : i32
    %mul3A_2 = arith.muli %add3A, %mul3A_1 : i32
    "tpu.region"() ({
      %run_scoped3A = tpu.sem_alloc : memref<!tpu.dma_semaphore, #tpu.memory_space<semaphore_mem>>
      %dma_start3A_7 = tpu.memref_slice %arg3[%mul3A_2] : memref<4096xi32, #tpu.memory_space<hbm>> -> memref<128xi32, #tpu.memory_space<hbm>>
      %dma_start3A_8 = tpu.memref_slice %arg3[%mul3A_2] : memref<4096xi32, #tpu.memory_space<hbm>> -> memref<128xi32, #tpu.memory_space<hbm>>
      tpu.enqueue_dma source(%dma_start3A_8 : memref<128xi32, #tpu.memory_space<hbm>>) target(%arg5 : memref<128xi32, #tpu.memory_space<vmem>>) target_semaphore(%run_scoped3A : memref<!tpu.dma_semaphore, #tpu.memory_space<semaphore_mem>>)
      %dma_wait3A_9 = tpu.memref_slice %arg3[%mul3A_2] : memref<4096xi32, #tpu.memory_space<hbm>> -> memref<128xi32, #tpu.memory_space<hbm>>
      %dma_wait3A_10 = tpu.memref_slice %arg3[%mul3A_2] : memref<4096xi32, #tpu.memory_space<hbm>> -> memref<128xi32, #tpu.memory_space<hbm>>
      tpu.wait_dma2 semaphore(%run_scoped3A : memref<!tpu.dma_semaphore, #tpu.memory_space<semaphore_mem>>) src(%dma_wait3A_10 : memref<128xi32, #tpu.memory_space<hbm>>) dst(%arg5 : memref<128xi32, #tpu.memory_space<vmem>>)
      tpu.yield
    }) : () -> ()
    %dma_start3A = arith.constant 0 : i32
    %dma_start3A_3 = arith.constant 0 : i32
    %dma_start3A_4 = tpu.memref_slice %arg2[%dma_start3A, %dma_start3A_3] : memref<3072x256xf32, #tpu.memory_space<hbm>> -> memref<3072x256xf32, #tpu.memory_space<hbm>>
    tpu.enqueue_indirect_dma source(%dma_start3A_4 : memref<3072x256xf32, #tpu.memory_space<hbm>>) target(%arg6 : memref<128x256xf32, #tpu.memory_space<vmem>>) offsets(%arg5 : memref<128xi32, #tpu.memory_space<vmem>>) semaphore(%arg7 : memref<!tpu.dma_semaphore, #tpu.memory_space<semaphore_mem>>)
    %dma_wait3A = arith.constant 0 : i32
    %dma_wait3A_5 = arith.constant 0 : i32
    %dma_wait3A_6 = tpu.memref_slice %arg2[%dma_wait3A, %dma_wait3A_5] : memref<3072x256xf32, #tpu.memory_space<hbm>> -> memref<3072x256xf32, #tpu.memory_space<hbm>>
    tpu.wait_indirect_dma semaphore(%arg7 : memref<!tpu.dma_semaphore, #tpu.memory_space<semaphore_mem>>) src(%dma_wait3A_6 : memref<3072x256xf32, #tpu.memory_space<hbm>>) dst(%arg6 : memref<128x256xf32, #tpu.memory_space<vmem>>)
    "tpu.region"() ({
      %run_scoped3A = tpu.sem_alloc : memref<!tpu.dma_semaphore, #tpu.memory_space<semaphore_mem>>
      %dma_start3A_7 = arith.constant 0 : i32
      %dma_start3A_8 = tpu.memref_slice %arg4[%mul3A_2, %dma_start3A_7] : memref<4096x256xf32, #tpu.memory_space<hbm>> -> memref<128x256xf32, #tpu.memory_space<hbm>>
      %dma_start3A_9 = arith.constant 0 : i32
      %dma_start3A_10 = tpu.memref_slice %arg4[%mul3A_2, %dma_start3A_9] : memref<4096x256xf32, #tpu.memory_space<hbm>> -> memref<128x256xf32, #tpu.memory_space<hbm>>
      tpu.enqueue_dma source(%arg6 : memref<128x256xf32, #tpu.memory_space<vmem>>) target(%dma_start3A_10 : memref<128x256xf32, #tpu.memory_space<hbm>>) target_semaphore(%run_scoped3A : memref<!tpu.dma_semaphore, #tpu.memory_space<semaphore_mem>>)
      %dma_wait3A_11 = arith.constant 0 : i32
      %dma_wait3A_12 = tpu.memref_slice %arg4[%mul3A_2, %dma_wait3A_11] : memref<4096x256xf32, #tpu.memory_space<hbm>> -> memref<128x256xf32, #tpu.memory_space<hbm>>
      %dma_wait3A_13 = arith.constant 0 : i32
      %dma_wait3A_14 = tpu.memref_slice %arg4[%mul3A_2, %dma_wait3A_13] : memref<4096x256xf32, #tpu.memory_space<hbm>> -> memref<128x256xf32, #tpu.memory_space<hbm>>
      tpu.wait_dma2 semaphore(%run_scoped3A : memref<!tpu.dma_semaphore, #tpu.memory_space<semaphore_mem>>) src(%arg6 : memref<128x256xf32, #tpu.memory_space<vmem>>) dst(%dma_wait3A_14 : memref<128x256xf32, #tpu.memory_space<hbm>>)
      tpu.yield
    }) : () -> ()
    return
  }
}

module attributes {stable_mosaic.version = 14 : i64} {
  func.func @_geom_body(%arg0: i32, %arg1: memref<8x48xi32, #tpu.memory_space<vmem>>, %arg2: memref<8x48x3xf32, #tpu.memory_space<vmem>>, %arg3: memref<8x48x256xf32, #tpu.memory_space<vmem>>, %arg4: memref<8x48x48xf32, #tpu.memory_space<vmem>>, %arg5: memref<8x48x48x64xf32, #tpu.memory_space<vmem>>, %arg6: memref<8x48x48xf32, #tpu.memory_space<vmem>>, %arg7: memref<8x48xf32, #tpu.memory_space<vmem>>) attributes {dimension_semantics = [#tpu.dimension_semantics<arbitrary>], iteration_bounds = array<i64: 8>, scalar_prefetch = 0 : i64, scratch_operands = 0 : i64, tpu.core_type = #tpu.core_type<tc>, window_params = [{transform_indices = @transform_0, window_bounds = array<i64: 8, 48>}, {transform_indices = @transform_1, window_bounds = array<i64: 8, 48, 3>}, {transform_indices = @transform_2, window_bounds = array<i64: 8, 48, 256>}, {transform_indices = @transform_3, window_bounds = array<i64: 8, 48, 48>}, {transform_indices = @transform_4, window_bounds = array<i64: 8, 48, 48, 64>}, {transform_indices = @transform_5, window_bounds = array<i64: 8, 48, 48>}, {transform_indices = @transform_6, window_bounds = array<i64: 8, 48>}]} {
    %get3A = arith.constant 0 : index
    %get3A_0 = arith.constant 0 : index
    %get3A_1 = vector.load %arg1[%get3A, %get3A_0] : memref<8x48xi32, #tpu.memory_space<vmem>>, vector<8x48xi32>
    %get3A_2 = arith.constant 0 : index
    %get3A_3 = arith.constant 0 : index
    %get3A_4 = arith.constant 0 : index
    %get3A_5 = vector.load %arg2[%get3A_2, %get3A_3, %get3A_4] : memref<8x48x3xf32, #tpu.memory_space<vmem>>, vector<8x48x1xf32>
    %get3A_6 = vector.shape_cast %get3A_5 : vector<8x48x1xf32> to vector<8x48xf32>
    %get3A_7 = arith.constant 0 : index
    %get3A_8 = arith.constant 0 : index
    %get3A_9 = arith.constant 1 : index
    %get3A_10 = vector.load %arg2[%get3A_7, %get3A_8, %get3A_9] : memref<8x48x3xf32, #tpu.memory_space<vmem>>, vector<8x48x1xf32>
    %get3A_11 = vector.shape_cast %get3A_10 : vector<8x48x1xf32> to vector<8x48xf32>
    %get3A_12 = arith.constant 0 : index
    %get3A_13 = arith.constant 0 : index
    %get3A_14 = arith.constant 2 : index
    %get3A_15 = vector.load %arg2[%get3A_12, %get3A_13, %get3A_14] : memref<8x48x3xf32, #tpu.memory_space<vmem>>, vector<8x48x1xf32>
    %get3A_16 = vector.shape_cast %get3A_15 : vector<8x48x1xf32> to vector<8x48xf32>
    %broadcast_in_dim3A = vector.shape_cast %get3A_6 : vector<8x48xf32> to vector<8x48x1xf32>
    %broadcast_in_dim3A_17 = vector.shape_cast %get3A_6 : vector<8x48xf32> to vector<8x1x48xf32>
    %sub3A = vector.broadcast %broadcast_in_dim3A : vector<8x48x1xf32> to vector<8x48x48xf32>
    %sub3A_18 = vector.broadcast %broadcast_in_dim3A_17 : vector<8x1x48xf32> to vector<8x48x48xf32>
    %sub3A_19 = arith.subf %sub3A, %sub3A_18 : vector<8x48x48xf32>
    %broadcast_in_dim3A_20 = vector.shape_cast %get3A_11 : vector<8x48xf32> to vector<8x48x1xf32>
    %broadcast_in_dim3A_21 = vector.shape_cast %get3A_11 : vector<8x48xf32> to vector<8x1x48xf32>
    %sub3A_22 = vector.broadcast %broadcast_in_dim3A_20 : vector<8x48x1xf32> to vector<8x48x48xf32>
    %sub3A_23 = vector.broadcast %broadcast_in_dim3A_21 : vector<8x1x48xf32> to vector<8x48x48xf32>
    %sub3A_24 = arith.subf %sub3A_22, %sub3A_23 : vector<8x48x48xf32>
    %broadcast_in_dim3A_25 = vector.shape_cast %get3A_16 : vector<8x48xf32> to vector<8x48x1xf32>
    %broadcast_in_dim3A_26 = vector.shape_cast %get3A_16 : vector<8x48xf32> to vector<8x1x48xf32>
    %sub3A_27 = vector.broadcast %broadcast_in_dim3A_25 : vector<8x48x1xf32> to vector<8x48x48xf32>
    %sub3A_28 = vector.broadcast %broadcast_in_dim3A_26 : vector<8x1x48xf32> to vector<8x48x48xf32>
    %sub3A_29 = arith.subf %sub3A_27, %sub3A_28 : vector<8x48x48xf32>
    %mul3A = arith.mulf %sub3A_19, %sub3A_19 : vector<8x48x48xf32>
    %mul3A_30 = arith.mulf %sub3A_24, %sub3A_24 : vector<8x48x48xf32>
    %add3A = arith.addf %mul3A, %mul3A_30 : vector<8x48x48xf32>
    %mul3A_31 = arith.mulf %sub3A_29, %sub3A_29 : vector<8x48x48xf32>
    %add3A_32 = arith.addf %add3A, %mul3A_31 : vector<8x48x48xf32>
    %add3A_33 = arith.constant 1.000000e-16 : f32
    %add3A_34 = vector.broadcast %add3A_33 : f32 to vector<8x48x48xf32>
    %add3A_35 = arith.addf %add3A_32, %add3A_34 : vector<8x48x48xf32>
    %sqrt3A = math.sqrt %add3A_35 : vector<8x48x48xf32>
    %le3A = arith.constant 5.200000e+00 : f32
    %le3A_36 = vector.broadcast %le3A : f32 to vector<8x48x48xf32>
    %le3A_37 = arith.cmpf ole, %sqrt3A, %le3A_36 : vector<8x48x48xf32>
    %mul3A_38 = arith.constant 3.14159274 : f32
    %mul3A_39 = vector.broadcast %mul3A_38 : f32 to vector<8x48x48xf32>
    %mul3A_40 = arith.mulf %mul3A_39, %sqrt3A : vector<8x48x48xf32>
    %div3A = arith.constant 5.200000e+00 : f32
    %div3A_41 = vector.broadcast %div3A : f32 to vector<8x48x48xf32>
    %div3A_42 = arith.divf %mul3A_40, %div3A_41 : vector<8x48x48xf32>
    %cos3A = math.cos %div3A_42 : vector<8x48x48xf32>
    %mul3A_43 = arith.constant 5.000000e-01 : f32
    %mul3A_44 = vector.broadcast %mul3A_43 : f32 to vector<8x48x48xf32>
    %mul3A_45 = arith.mulf %mul3A_44, %cos3A : vector<8x48x48xf32>
    %add3A_46 = arith.constant 5.000000e-01 : f32
    %add3A_47 = vector.broadcast %add3A_46 : f32 to vector<8x48x48xf32>
    %add3A_48 = arith.addf %mul3A_45, %add3A_47 : vector<8x48x48xf32>
    %jit3A = arith.constant 0.000000e+00 : f32
    %broadcast_in_dim3A_49 = vector.broadcast %jit3A : f32 to vector<8x48x48xf32>
    %select_n3A = arith.select %le3A_37, %add3A_48, %broadcast_in_dim3A_49 : vector<8x48x48xi1>, vector<8x48x48xf32>
    %iota3A = tpu.iota {dimensions = array<i32: 0>} : vector<48x48xi32>
    %iota3A_50 = tpu.iota {dimensions = array<i32: 1>} : vector<48x48xi32>
    %ne3A = arith.cmpi ne, %iota3A, %iota3A_50 : vector<48x48xi32>
    %convert_element_type3A = arith.extui %ne3A : vector<48x48xi1> to vector<48x48xi32>
    %convert_element_type3A_51 = arith.sitofp %convert_element_type3A : vector<48x48xi32> to vector<48x48xf32>
    %broadcast_in_dim3A_52 = vector.shape_cast %convert_element_type3A_51 : vector<48x48xf32> to vector<1x48x48xf32>
    %mul3A_53 = vector.broadcast %broadcast_in_dim3A_52 : vector<1x48x48xf32> to vector<8x48x48xf32>
    %mul3A_54 = arith.mulf %select_n3A, %mul3A_53 : vector<8x48x48xf32>
    %iota3A_55 = tpu.iota {dimensions = array<i32: 3>} : vector<1x1x1x96xi32>
    %broadcast_in_dim3A_56 = arith.constant 0.000000e+00 : f32
    %broadcast_in_dim3A_57 = vector.broadcast %broadcast_in_dim3A_56 : f32 to vector<1x1x1x96xf32>
    %lt3A = arith.constant 64 : i32
    %lt3A_58 = vector.broadcast %lt3A : i32 to vector<1x1x1x96xi32>
    %lt3A_59 = arith.cmpi slt, %iota3A_55, %lt3A_58 : vector<1x1x1x96xi32>
    %jit3A_60 = arith.constant 8 : i32
    %div3A_61 = vector.broadcast %jit3A_60 : i32 to vector<1x1x1x96xi32>
    %div3A_62 = arith.divsi %iota3A_55, %div3A_61 : vector<1x1x1x96xi32>
    %sign3A = arith.constant 0 : i32
    %sign3A_63 = vector.broadcast %sign3A : i32 to vector<1x1x1x96xi32>
    %sign3A_64 = arith.cmpi sgt, %iota3A_55, %sign3A_63 : vector<1x1x1x96xi32>
    %sign3A_65 = arith.extui %sign3A_64 : vector<1x1x1x96xi1> to vector<1x1x1x96xi32>
    %sign3A_66 = arith.constant 0 : i32
    %sign3A_67 = vector.broadcast %sign3A_66 : i32 to vector<1x1x1x96xi32>
    %sign3A_68 = arith.cmpi slt, %iota3A_55, %sign3A_67 : vector<1x1x1x96xi32>
    %sign3A_69 = arith.extui %sign3A_68 : vector<1x1x1x96xi1> to vector<1x1x1x96xi32>
    %sign3A_70 = arith.subi %sign3A_65, %sign3A_69 : vector<1x1x1x96xi32>
    %sign3A_71 = arith.constant 0 : i32
    %sign3A_72 = arith.cmpi sgt, %jit3A_60, %sign3A_71 : i32
    %sign3A_73 = arith.extui %sign3A_72 : i1 to i32
    %sign3A_74 = arith.constant 0 : i32
    %sign3A_75 = arith.cmpi slt, %jit3A_60, %sign3A_74 : i32
    %sign3A_76 = arith.extui %sign3A_75 : i1 to i32
    %sign3A_77 = arith.subi %sign3A_73, %sign3A_76 : i32
    %ne3A_78 = vector.broadcast %sign3A_77 : i32 to vector<1x1x1x96xi32>
    %ne3A_79 = arith.cmpi ne, %sign3A_70, %ne3A_78 : vector<1x1x1x96xi32>
    %rem3A = vector.broadcast %jit3A_60 : i32 to vector<1x1x1x96xi32>
    %rem3A_80 = arith.remsi %iota3A_55, %rem3A : vector<1x1x1x96xi32>
    %ne3A_81 = arith.constant 0 : i32
    %ne3A_82 = vector.broadcast %ne3A_81 : i32 to vector<1x1x1x96xi32>
    %ne3A_83 = arith.cmpi ne, %rem3A_80, %ne3A_82 : vector<1x1x1x96xi32>
    %and3A = arith.andi %ne3A_79, %ne3A_83 : vector<1x1x1x96xi1>
    %sub3A_84 = arith.constant 1 : i32
    %sub3A_85 = vector.broadcast %sub3A_84 : i32 to vector<1x1x1x96xi32>
    %sub3A_86 = arith.subi %div3A_62, %sub3A_85 : vector<1x1x1x96xi32>
    %select_n3A_87 = arith.select %and3A, %sub3A_86, %div3A_62 : vector<1x1x1x96xi1>, vector<1x1x1x96xi32>
    %eq3A = arith.constant 0 : i32
    %eq3A_88 = vector.broadcast %eq3A : i32 to vector<1x1x1x96xi32>
    %eq3A_89 = arith.cmpi eq, %select_n3A_87, %eq3A_88 : vector<1x1x1x96xi32>
    %and3A_90 = arith.andi %lt3A_59, %eq3A_89 : vector<1x1x1x96xi1>
    %jit3A_91 = arith.constant 4.000000e+00 : f32
    %jit3A_92 = arith.constant 0.000000e+00 : f32
    %broadcast_in_dim3A_93 = vector.broadcast %jit3A_91 : f32 to vector<1x1x1x96xf32>
    %broadcast_in_dim3A_94 = vector.broadcast %jit3A_92 : f32 to vector<1x1x1x96xf32>
    %select_n3A_95 = arith.select %and3A_90, %broadcast_in_dim3A_93, %broadcast_in_dim3A_94 : vector<1x1x1x96xi1>, vector<1x1x1x96xf32>
    %add3A_96 = arith.addf %broadcast_in_dim3A_57, %select_n3A_95 : vector<1x1x1x96xf32>
    %lt3A_97 = arith.constant 64 : i32
    %lt3A_98 = vector.broadcast %lt3A_97 : i32 to vector<1x1x1x96xi32>
    %lt3A_99 = arith.cmpi slt, %iota3A_55, %lt3A_98 : vector<1x1x1x96xi32>
    %jit3A_100 = arith.constant 8 : i32
    %div3A_101 = vector.broadcast %jit3A_100 : i32 to vector<1x1x1x96xi32>
    %div3A_102 = arith.divsi %iota3A_55, %div3A_101 : vector<1x1x1x96xi32>
    %sign3A_103 = arith.constant 0 : i32
    %sign3A_104 = vector.broadcast %sign3A_103 : i32 to vector<1x1x1x96xi32>
    %sign3A_105 = arith.cmpi sgt, %iota3A_55, %sign3A_104 : vector<1x1x1x96xi32>
    %sign3A_106 = arith.extui %sign3A_105 : vector<1x1x1x96xi1> to vector<1x1x1x96xi32>
    %sign3A_107 = arith.constant 0 : i32
    %sign3A_108 = vector.broadcast %sign3A_107 : i32 to vector<1x1x1x96xi32>
    %sign3A_109 = arith.cmpi slt, %iota3A_55, %sign3A_108 : vector<1x1x1x96xi32>
    %sign3A_110 = arith.extui %sign3A_109 : vector<1x1x1x96xi1> to vector<1x1x1x96xi32>
    %sign3A_111 = arith.subi %sign3A_106, %sign3A_110 : vector<1x1x1x96xi32>
    %sign3A_112 = arith.constant 0 : i32
    %sign3A_113 = arith.cmpi sgt, %jit3A_100, %sign3A_112 : i32
    %sign3A_114 = arith.extui %sign3A_113 : i1 to i32
    %sign3A_115 = arith.constant 0 : i32
    %sign3A_116 = arith.cmpi slt, %jit3A_100, %sign3A_115 : i32
    %sign3A_117 = arith.extui %sign3A_116 : i1 to i32
    %sign3A_118 = arith.subi %sign3A_114, %sign3A_117 : i32
    %ne3A_119 = vector.broadcast %sign3A_118 : i32 to vector<1x1x1x96xi32>
    %ne3A_120 = arith.cmpi ne, %sign3A_111, %ne3A_119 : vector<1x1x1x96xi32>
    %rem3A_121 = vector.broadcast %jit3A_100 : i32 to vector<1x1x1x96xi32>
    %rem3A_122 = arith.remsi %iota3A_55, %rem3A_121 : vector<1x1x1x96xi32>
    %ne3A_123 = arith.constant 0 : i32
    %ne3A_124 = vector.broadcast %ne3A_123 : i32 to vector<1x1x1x96xi32>
    %ne3A_125 = arith.cmpi ne, %rem3A_122, %ne3A_124 : vector<1x1x1x96xi32>
    %and3A_126 = arith.andi %ne3A_120, %ne3A_125 : vector<1x1x1x96xi1>
    %sub3A_127 = arith.constant 1 : i32
    %sub3A_128 = vector.broadcast %sub3A_127 : i32 to vector<1x1x1x96xi32>
    %sub3A_129 = arith.subi %div3A_102, %sub3A_128 : vector<1x1x1x96xi32>
    %select_n3A_130 = arith.select %and3A_126, %sub3A_129, %div3A_102 : vector<1x1x1x96xi1>, vector<1x1x1x96xi32>
    %eq3A_131 = arith.constant 1 : i32
    %eq3A_132 = vector.broadcast %eq3A_131 : i32 to vector<1x1x1x96xi32>
    %eq3A_133 = arith.cmpi eq, %select_n3A_130, %eq3A_132 : vector<1x1x1x96xi32>
    %and3A_134 = arith.andi %lt3A_99, %eq3A_133 : vector<1x1x1x96xi1>
    %jit3A_135 = arith.constant 8.000000e+00 : f32
    %jit3A_136 = arith.constant 0.000000e+00 : f32
    %broadcast_in_dim3A_137 = vector.broadcast %jit3A_135 : f32 to vector<1x1x1x96xf32>
    %broadcast_in_dim3A_138 = vector.broadcast %jit3A_136 : f32 to vector<1x1x1x96xf32>
    %select_n3A_139 = arith.select %and3A_134, %broadcast_in_dim3A_137, %broadcast_in_dim3A_138 : vector<1x1x1x96xi1>, vector<1x1x1x96xf32>
    %add3A_140 = arith.addf %add3A_96, %select_n3A_139 : vector<1x1x1x96xf32>
    %lt3A_141 = arith.constant 64 : i32
    %lt3A_142 = vector.broadcast %lt3A_141 : i32 to vector<1x1x1x96xi32>
    %lt3A_143 = arith.cmpi slt, %iota3A_55, %lt3A_142 : vector<1x1x1x96xi32>
    %jit3A_144 = arith.constant 8 : i32
    %div3A_145 = vector.broadcast %jit3A_144 : i32 to vector<1x1x1x96xi32>
    %div3A_146 = arith.divsi %iota3A_55, %div3A_145 : vector<1x1x1x96xi32>
    %sign3A_147 = arith.constant 0 : i32
    %sign3A_148 = vector.broadcast %sign3A_147 : i32 to vector<1x1x1x96xi32>
    %sign3A_149 = arith.cmpi sgt, %iota3A_55, %sign3A_148 : vector<1x1x1x96xi32>
    %sign3A_150 = arith.extui %sign3A_149 : vector<1x1x1x96xi1> to vector<1x1x1x96xi32>
    %sign3A_151 = arith.constant 0 : i32
    %sign3A_152 = vector.broadcast %sign3A_151 : i32 to vector<1x1x1x96xi32>
    %sign3A_153 = arith.cmpi slt, %iota3A_55, %sign3A_152 : vector<1x1x1x96xi32>
    %sign3A_154 = arith.extui %sign3A_153 : vector<1x1x1x96xi1> to vector<1x1x1x96xi32>
    %sign3A_155 = arith.subi %sign3A_150, %sign3A_154 : vector<1x1x1x96xi32>
    %sign3A_156 = arith.constant 0 : i32
    %sign3A_157 = arith.cmpi sgt, %jit3A_144, %sign3A_156 : i32
    %sign3A_158 = arith.extui %sign3A_157 : i1 to i32
    %sign3A_159 = arith.constant 0 : i32
    %sign3A_160 = arith.cmpi slt, %jit3A_144, %sign3A_159 : i32
    %sign3A_161 = arith.extui %sign3A_160 : i1 to i32
    %sign3A_162 = arith.subi %sign3A_158, %sign3A_161 : i32
    %ne3A_163 = vector.broadcast %sign3A_162 : i32 to vector<1x1x1x96xi32>
    %ne3A_164 = arith.cmpi ne, %sign3A_155, %ne3A_163 : vector<1x1x1x96xi32>
    %rem3A_165 = vector.broadcast %jit3A_144 : i32 to vector<1x1x1x96xi32>
    %rem3A_166 = arith.remsi %iota3A_55, %rem3A_165 : vector<1x1x1x96xi32>
    %ne3A_167 = arith.constant 0 : i32
    %ne3A_168 = vector.broadcast %ne3A_167 : i32 to vector<1x1x1x96xi32>
    %ne3A_169 = arith.cmpi ne, %rem3A_166, %ne3A_168 : vector<1x1x1x96xi32>
    %and3A_170 = arith.andi %ne3A_164, %ne3A_169 : vector<1x1x1x96xi1>
    %sub3A_171 = arith.constant 1 : i32
    %sub3A_172 = vector.broadcast %sub3A_171 : i32 to vector<1x1x1x96xi32>
    %sub3A_173 = arith.subi %div3A_146, %sub3A_172 : vector<1x1x1x96xi32>
    %select_n3A_174 = arith.select %and3A_170, %sub3A_173, %div3A_146 : vector<1x1x1x96xi1>, vector<1x1x1x96xi32>
    %eq3A_175 = arith.constant 2 : i32
    %eq3A_176 = vector.broadcast %eq3A_175 : i32 to vector<1x1x1x96xi32>
    %eq3A_177 = arith.cmpi eq, %select_n3A_174, %eq3A_176 : vector<1x1x1x96xi32>
    %and3A_178 = arith.andi %lt3A_143, %eq3A_177 : vector<1x1x1x96xi1>
    %jit3A_179 = arith.constant 1.200000e+01 : f32
    %jit3A_180 = arith.constant 0.000000e+00 : f32
    %broadcast_in_dim3A_181 = vector.broadcast %jit3A_179 : f32 to vector<1x1x1x96xf32>
    %broadcast_in_dim3A_182 = vector.broadcast %jit3A_180 : f32 to vector<1x1x1x96xf32>
    %select_n3A_183 = arith.select %and3A_178, %broadcast_in_dim3A_181, %broadcast_in_dim3A_182 : vector<1x1x1x96xi1>, vector<1x1x1x96xf32>
    %add3A_184 = arith.addf %add3A_140, %select_n3A_183 : vector<1x1x1x96xf32>
    %lt3A_185 = arith.constant 64 : i32
    %lt3A_186 = vector.broadcast %lt3A_185 : i32 to vector<1x1x1x96xi32>
    %lt3A_187 = arith.cmpi slt, %iota3A_55, %lt3A_186 : vector<1x1x1x96xi32>
    %jit3A_188 = arith.constant 8 : i32
    %div3A_189 = vector.broadcast %jit3A_188 : i32 to vector<1x1x1x96xi32>
    %div3A_190 = arith.divsi %iota3A_55, %div3A_189 : vector<1x1x1x96xi32>
    %sign3A_191 = arith.constant 0 : i32
    %sign3A_192 = vector.broadcast %sign3A_191 : i32 to vector<1x1x1x96xi32>
    %sign3A_193 = arith.cmpi sgt, %iota3A_55, %sign3A_192 : vector<1x1x1x96xi32>
    %sign3A_194 = arith.extui %sign3A_193 : vector<1x1x1x96xi1> to vector<1x1x1x96xi32>
    %sign3A_195 = arith.constant 0 : i32
    %sign3A_196 = vector.broadcast %sign3A_195 : i32 to vector<1x1x1x96xi32>
    %sign3A_197 = arith.cmpi slt, %iota3A_55, %sign3A_196 : vector<1x1x1x96xi32>
    %sign3A_198 = arith.extui %sign3A_197 : vector<1x1x1x96xi1> to vector<1x1x1x96xi32>
    %sign3A_199 = arith.subi %sign3A_194, %sign3A_198 : vector<1x1x1x96xi32>
    %sign3A_200 = arith.constant 0 : i32
    %sign3A_201 = arith.cmpi sgt, %jit3A_188, %sign3A_200 : i32
    %sign3A_202 = arith.extui %sign3A_201 : i1 to i32
    %sign3A_203 = arith.constant 0 : i32
    %sign3A_204 = arith.cmpi slt, %jit3A_188, %sign3A_203 : i32
    %sign3A_205 = arith.extui %sign3A_204 : i1 to i32
    %sign3A_206 = arith.subi %sign3A_202, %sign3A_205 : i32
    %ne3A_207 = vector.broadcast %sign3A_206 : i32 to vector<1x1x1x96xi32>
    %ne3A_208 = arith.cmpi ne, %sign3A_199, %ne3A_207 : vector<1x1x1x96xi32>
    %rem3A_209 = vector.broadcast %jit3A_188 : i32 to vector<1x1x1x96xi32>
    %rem3A_210 = arith.remsi %iota3A_55, %rem3A_209 : vector<1x1x1x96xi32>
    %ne3A_211 = arith.constant 0 : i32
    %ne3A_212 = vector.broadcast %ne3A_211 : i32 to vector<1x1x1x96xi32>
    %ne3A_213 = arith.cmpi ne, %rem3A_210, %ne3A_212 : vector<1x1x1x96xi32>
    %and3A_214 = arith.andi %ne3A_208, %ne3A_213 : vector<1x1x1x96xi1>
    %sub3A_215 = arith.constant 1 : i32
    %sub3A_216 = vector.broadcast %sub3A_215 : i32 to vector<1x1x1x96xi32>
    %sub3A_217 = arith.subi %div3A_190, %sub3A_216 : vector<1x1x1x96xi32>
    %select_n3A_218 = arith.select %and3A_214, %sub3A_217, %div3A_190 : vector<1x1x1x96xi1>, vector<1x1x1x96xi32>
    %eq3A_219 = arith.constant 3 : i32
    %eq3A_220 = vector.broadcast %eq3A_219 : i32 to vector<1x1x1x96xi32>
    %eq3A_221 = arith.cmpi eq, %select_n3A_218, %eq3A_220 : vector<1x1x1x96xi32>
    %and3A_222 = arith.andi %lt3A_187, %eq3A_221 : vector<1x1x1x96xi1>
    %jit3A_223 = arith.constant 1.600000e+01 : f32
    %jit3A_224 = arith.constant 0.000000e+00 : f32
    %broadcast_in_dim3A_225 = vector.broadcast %jit3A_223 : f32 to vector<1x1x1x96xf32>
    %broadcast_in_dim3A_226 = vector.broadcast %jit3A_224 : f32 to vector<1x1x1x96xf32>
    %select_n3A_227 = arith.select %and3A_222, %broadcast_in_dim3A_225, %broadcast_in_dim3A_226 : vector<1x1x1x96xi1>, vector<1x1x1x96xf32>
    %add3A_228 = arith.addf %add3A_184, %select_n3A_227 : vector<1x1x1x96xf32>
    %lt3A_229 = arith.constant 64 : i32
    %lt3A_230 = vector.broadcast %lt3A_229 : i32 to vector<1x1x1x96xi32>
    %lt3A_231 = arith.cmpi slt, %iota3A_55, %lt3A_230 : vector<1x1x1x96xi32>
    %jit3A_232 = arith.constant 8 : i32
    %div3A_233 = vector.broadcast %jit3A_232 : i32 to vector<1x1x1x96xi32>
    %div3A_234 = arith.divsi %iota3A_55, %div3A_233 : vector<1x1x1x96xi32>
    %sign3A_235 = arith.constant 0 : i32
    %sign3A_236 = vector.broadcast %sign3A_235 : i32 to vector<1x1x1x96xi32>
    %sign3A_237 = arith.cmpi sgt, %iota3A_55, %sign3A_236 : vector<1x1x1x96xi32>
    %sign3A_238 = arith.extui %sign3A_237 : vector<1x1x1x96xi1> to vector<1x1x1x96xi32>
    %sign3A_239 = arith.constant 0 : i32
    %sign3A_240 = vector.broadcast %sign3A_239 : i32 to vector<1x1x1x96xi32>
    %sign3A_241 = arith.cmpi slt, %iota3A_55, %sign3A_240 : vector<1x1x1x96xi32>
    %sign3A_242 = arith.extui %sign3A_241 : vector<1x1x1x96xi1> to vector<1x1x1x96xi32>
    %sign3A_243 = arith.subi %sign3A_238, %sign3A_242 : vector<1x1x1x96xi32>
    %sign3A_244 = arith.constant 0 : i32
    %sign3A_245 = arith.cmpi sgt, %jit3A_232, %sign3A_244 : i32
    %sign3A_246 = arith.extui %sign3A_245 : i1 to i32
    %sign3A_247 = arith.constant 0 : i32
    %sign3A_248 = arith.cmpi slt, %jit3A_232, %sign3A_247 : i32
    %sign3A_249 = arith.extui %sign3A_248 : i1 to i32
    %sign3A_250 = arith.subi %sign3A_246, %sign3A_249 : i32
    %ne3A_251 = vector.broadcast %sign3A_250 : i32 to vector<1x1x1x96xi32>
    %ne3A_252 = arith.cmpi ne, %sign3A_243, %ne3A_251 : vector<1x1x1x96xi32>
    %rem3A_253 = vector.broadcast %jit3A_232 : i32 to vector<1x1x1x96xi32>
    %rem3A_254 = arith.remsi %iota3A_55, %rem3A_253 : vector<1x1x1x96xi32>
    %ne3A_255 = arith.constant 0 : i32
    %ne3A_256 = vector.broadcast %ne3A_255 : i32 to vector<1x1x1x96xi32>
    %ne3A_257 = arith.cmpi ne, %rem3A_254, %ne3A_256 : vector<1x1x1x96xi32>
    %and3A_258 = arith.andi %ne3A_252, %ne3A_257 : vector<1x1x1x96xi1>
    %sub3A_259 = arith.constant 1 : i32
    %sub3A_260 = vector.broadcast %sub3A_259 : i32 to vector<1x1x1x96xi32>
    %sub3A_261 = arith.subi %div3A_234, %sub3A_260 : vector<1x1x1x96xi32>
    %select_n3A_262 = arith.select %and3A_258, %sub3A_261, %div3A_234 : vector<1x1x1x96xi1>, vector<1x1x1x96xi32>
    %eq3A_263 = arith.constant 4 : i32
    %eq3A_264 = vector.broadcast %eq3A_263 : i32 to vector<1x1x1x96xi32>
    %eq3A_265 = arith.cmpi eq, %select_n3A_262, %eq3A_264 : vector<1x1x1x96xi32>
    %and3A_266 = arith.andi %lt3A_231, %eq3A_265 : vector<1x1x1x96xi1>
    %jit3A_267 = arith.constant 2.400000e+01 : f32
    %jit3A_268 = arith.constant 0.000000e+00 : f32
    %broadcast_in_dim3A_269 = vector.broadcast %jit3A_267 : f32 to vector<1x1x1x96xf32>
    %broadcast_in_dim3A_270 = vector.broadcast %jit3A_268 : f32 to vector<1x1x1x96xf32>
    %select_n3A_271 = arith.select %and3A_266, %broadcast_in_dim3A_269, %broadcast_in_dim3A_270 : vector<1x1x1x96xi1>, vector<1x1x1x96xf32>
    %add3A_272 = arith.addf %add3A_228, %select_n3A_271 : vector<1x1x1x96xf32>
    %lt3A_273 = arith.constant 64 : i32
    %lt3A_274 = vector.broadcast %lt3A_273 : i32 to vector<1x1x1x96xi32>
    %lt3A_275 = arith.cmpi slt, %iota3A_55, %lt3A_274 : vector<1x1x1x96xi32>
    %jit3A_276 = arith.constant 8 : i32
    %div3A_277 = vector.broadcast %jit3A_276 : i32 to vector<1x1x1x96xi32>
    %div3A_278 = arith.divsi %iota3A_55, %div3A_277 : vector<1x1x1x96xi32>
    %sign3A_279 = arith.constant 0 : i32
    %sign3A_280 = vector.broadcast %sign3A_279 : i32 to vector<1x1x1x96xi32>
    %sign3A_281 = arith.cmpi sgt, %iota3A_55, %sign3A_280 : vector<1x1x1x96xi32>
    %sign3A_282 = arith.extui %sign3A_281 : vector<1x1x1x96xi1> to vector<1x1x1x96xi32>
    %sign3A_283 = arith.constant 0 : i32
    %sign3A_284 = vector.broadcast %sign3A_283 : i32 to vector<1x1x1x96xi32>
    %sign3A_285 = arith.cmpi slt, %iota3A_55, %sign3A_284 : vector<1x1x1x96xi32>
    %sign3A_286 = arith.extui %sign3A_285 : vector<1x1x1x96xi1> to vector<1x1x1x96xi32>
    %sign3A_287 = arith.subi %sign3A_282, %sign3A_286 : vector<1x1x1x96xi32>
    %sign3A_288 = arith.constant 0 : i32
    %sign3A_289 = arith.cmpi sgt, %jit3A_276, %sign3A_288 : i32
    %sign3A_290 = arith.extui %sign3A_289 : i1 to i32
    %sign3A_291 = arith.constant 0 : i32
    %sign3A_292 = arith.cmpi slt, %jit3A_276, %sign3A_291 : i32
    %sign3A_293 = arith.extui %sign3A_292 : i1 to i32
    %sign3A_294 = arith.subi %sign3A_290, %sign3A_293 : i32
    %ne3A_295 = vector.broadcast %sign3A_294 : i32 to vector<1x1x1x96xi32>
    %ne3A_296 = arith.cmpi ne, %sign3A_287, %ne3A_295 : vector<1x1x1x96xi32>
    %rem3A_297 = vector.broadcast %jit3A_276 : i32 to vector<1x1x1x96xi32>
    %rem3A_298 = arith.remsi %iota3A_55, %rem3A_297 : vector<1x1x1x96xi32>
    %ne3A_299 = arith.constant 0 : i32
    %ne3A_300 = vector.broadcast %ne3A_299 : i32 to vector<1x1x1x96xi32>
    %ne3A_301 = arith.cmpi ne, %rem3A_298, %ne3A_300 : vector<1x1x1x96xi32>
    %and3A_302 = arith.andi %ne3A_296, %ne3A_301 : vector<1x1x1x96xi1>
    %sub3A_303 = arith.constant 1 : i32
    %sub3A_304 = vector.broadcast %sub3A_303 : i32 to vector<1x1x1x96xi32>
    %sub3A_305 = arith.subi %div3A_278, %sub3A_304 : vector<1x1x1x96xi32>
    %select_n3A_306 = arith.select %and3A_302, %sub3A_305, %div3A_278 : vector<1x1x1x96xi1>, vector<1x1x1x96xi32>
    %eq3A_307 = arith.constant 5 : i32
    %eq3A_308 = vector.broadcast %eq3A_307 : i32 to vector<1x1x1x96xi32>
    %eq3A_309 = arith.cmpi eq, %select_n3A_306, %eq3A_308 : vector<1x1x1x96xi32>
    %and3A_310 = arith.andi %lt3A_275, %eq3A_309 : vector<1x1x1x96xi1>
    %jit3A_311 = arith.constant 3.200000e+01 : f32
    %jit3A_312 = arith.constant 0.000000e+00 : f32
    %broadcast_in_dim3A_313 = vector.broadcast %jit3A_311 : f32 to vector<1x1x1x96xf32>
    %broadcast_in_dim3A_314 = vector.broadcast %jit3A_312 : f32 to vector<1x1x1x96xf32>
    %select_n3A_315 = arith.select %and3A_310, %broadcast_in_dim3A_313, %broadcast_in_dim3A_314 : vector<1x1x1x96xi1>, vector<1x1x1x96xf32>
    %add3A_316 = arith.addf %add3A_272, %select_n3A_315 : vector<1x1x1x96xf32>
    %lt3A_317 = arith.constant 64 : i32
    %lt3A_318 = vector.broadcast %lt3A_317 : i32 to vector<1x1x1x96xi32>
    %lt3A_319 = arith.cmpi slt, %iota3A_55, %lt3A_318 : vector<1x1x1x96xi32>
    %jit3A_320 = arith.constant 8 : i32
    %div3A_321 = vector.broadcast %jit3A_320 : i32 to vector<1x1x1x96xi32>
    %div3A_322 = arith.divsi %iota3A_55, %div3A_321 : vector<1x1x1x96xi32>
    %sign3A_323 = arith.constant 0 : i32
    %sign3A_324 = vector.broadcast %sign3A_323 : i32 to vector<1x1x1x96xi32>
    %sign3A_325 = arith.cmpi sgt, %iota3A_55, %sign3A_324 : vector<1x1x1x96xi32>
    %sign3A_326 = arith.extui %sign3A_325 : vector<1x1x1x96xi1> to vector<1x1x1x96xi32>
    %sign3A_327 = arith.constant 0 : i32
    %sign3A_328 = vector.broadcast %sign3A_327 : i32 to vector<1x1x1x96xi32>
    %sign3A_329 = arith.cmpi slt, %iota3A_55, %sign3A_328 : vector<1x1x1x96xi32>
    %sign3A_330 = arith.extui %sign3A_329 : vector<1x1x1x96xi1> to vector<1x1x1x96xi32>
    %sign3A_331 = arith.subi %sign3A_326, %sign3A_330 : vector<1x1x1x96xi32>
    %sign3A_332 = arith.constant 0 : i32
    %sign3A_333 = arith.cmpi sgt, %jit3A_320, %sign3A_332 : i32
    %sign3A_334 = arith.extui %sign3A_333 : i1 to i32
    %sign3A_335 = arith.constant 0 : i32
    %sign3A_336 = arith.cmpi slt, %jit3A_320, %sign3A_335 : i32
    %sign3A_337 = arith.extui %sign3A_336 : i1 to i32
    %sign3A_338 = arith.subi %sign3A_334, %sign3A_337 : i32
    %ne3A_339 = vector.broadcast %sign3A_338 : i32 to vector<1x1x1x96xi32>
    %ne3A_340 = arith.cmpi ne, %sign3A_331, %ne3A_339 : vector<1x1x1x96xi32>
    %rem3A_341 = vector.broadcast %jit3A_320 : i32 to vector<1x1x1x96xi32>
    %rem3A_342 = arith.remsi %iota3A_55, %rem3A_341 : vector<1x1x1x96xi32>
    %ne3A_343 = arith.constant 0 : i32
    %ne3A_344 = vector.broadcast %ne3A_343 : i32 to vector<1x1x1x96xi32>
    %ne3A_345 = arith.cmpi ne, %rem3A_342, %ne3A_344 : vector<1x1x1x96xi32>
    %and3A_346 = arith.andi %ne3A_340, %ne3A_345 : vector<1x1x1x96xi1>
    %sub3A_347 = arith.constant 1 : i32
    %sub3A_348 = vector.broadcast %sub3A_347 : i32 to vector<1x1x1x96xi32>
    %sub3A_349 = arith.subi %div3A_322, %sub3A_348 : vector<1x1x1x96xi32>
    %select_n3A_350 = arith.select %and3A_346, %sub3A_349, %div3A_322 : vector<1x1x1x96xi1>, vector<1x1x1x96xi32>
    %eq3A_351 = arith.constant 6 : i32
    %eq3A_352 = vector.broadcast %eq3A_351 : i32 to vector<1x1x1x96xi32>
    %eq3A_353 = arith.cmpi eq, %select_n3A_350, %eq3A_352 : vector<1x1x1x96xi32>
    %and3A_354 = arith.andi %lt3A_319, %eq3A_353 : vector<1x1x1x96xi1>
    %jit3A_355 = arith.constant 4.800000e+01 : f32
    %jit3A_356 = arith.constant 0.000000e+00 : f32
    %broadcast_in_dim3A_357 = vector.broadcast %jit3A_355 : f32 to vector<1x1x1x96xf32>
    %broadcast_in_dim3A_358 = vector.broadcast %jit3A_356 : f32 to vector<1x1x1x96xf32>
    %select_n3A_359 = arith.select %and3A_354, %broadcast_in_dim3A_357, %broadcast_in_dim3A_358 : vector<1x1x1x96xi1>, vector<1x1x1x96xf32>
    %add3A_360 = arith.addf %add3A_316, %select_n3A_359 : vector<1x1x1x96xf32>
    %lt3A_361 = arith.constant 64 : i32
    %lt3A_362 = vector.broadcast %lt3A_361 : i32 to vector<1x1x1x96xi32>
    %lt3A_363 = arith.cmpi slt, %iota3A_55, %lt3A_362 : vector<1x1x1x96xi32>
    %jit3A_364 = arith.constant 8 : i32
    %div3A_365 = vector.broadcast %jit3A_364 : i32 to vector<1x1x1x96xi32>
    %div3A_366 = arith.divsi %iota3A_55, %div3A_365 : vector<1x1x1x96xi32>
    %sign3A_367 = arith.constant 0 : i32
    %sign3A_368 = vector.broadcast %sign3A_367 : i32 to vector<1x1x1x96xi32>
    %sign3A_369 = arith.cmpi sgt, %iota3A_55, %sign3A_368 : vector<1x1x1x96xi32>
    %sign3A_370 = arith.extui %sign3A_369 : vector<1x1x1x96xi1> to vector<1x1x1x96xi32>
    %sign3A_371 = arith.constant 0 : i32
    %sign3A_372 = vector.broadcast %sign3A_371 : i32 to vector<1x1x1x96xi32>
    %sign3A_373 = arith.cmpi slt, %iota3A_55, %sign3A_372 : vector<1x1x1x96xi32>
    %sign3A_374 = arith.extui %sign3A_373 : vector<1x1x1x96xi1> to vector<1x1x1x96xi32>
    %sign3A_375 = arith.subi %sign3A_370, %sign3A_374 : vector<1x1x1x96xi32>
    %sign3A_376 = arith.constant 0 : i32
    %sign3A_377 = arith.cmpi sgt, %jit3A_364, %sign3A_376 : i32
    %sign3A_378 = arith.extui %sign3A_377 : i1 to i32
    %sign3A_379 = arith.constant 0 : i32
    %sign3A_380 = arith.cmpi slt, %jit3A_364, %sign3A_379 : i32
    %sign3A_381 = arith.extui %sign3A_380 : i1 to i32
    %sign3A_382 = arith.subi %sign3A_378, %sign3A_381 : i32
    %ne3A_383 = vector.broadcast %sign3A_382 : i32 to vector<1x1x1x96xi32>
    %ne3A_384 = arith.cmpi ne, %sign3A_375, %ne3A_383 : vector<1x1x1x96xi32>
    %rem3A_385 = vector.broadcast %jit3A_364 : i32 to vector<1x1x1x96xi32>
    %rem3A_386 = arith.remsi %iota3A_55, %rem3A_385 : vector<1x1x1x96xi32>
    %ne3A_387 = arith.constant 0 : i32
    %ne3A_388 = vector.broadcast %ne3A_387 : i32 to vector<1x1x1x96xi32>
    %ne3A_389 = arith.cmpi ne, %rem3A_386, %ne3A_388 : vector<1x1x1x96xi32>
    %and3A_390 = arith.andi %ne3A_384, %ne3A_389 : vector<1x1x1x96xi1>
    %sub3A_391 = arith.constant 1 : i32
    %sub3A_392 = vector.broadcast %sub3A_391 : i32 to vector<1x1x1x96xi32>
    %sub3A_393 = arith.subi %div3A_366, %sub3A_392 : vector<1x1x1x96xi32>
    %select_n3A_394 = arith.select %and3A_390, %sub3A_393, %div3A_366 : vector<1x1x1x96xi1>, vector<1x1x1x96xi32>
    %eq3A_395 = arith.constant 7 : i32
    %eq3A_396 = vector.broadcast %eq3A_395 : i32 to vector<1x1x1x96xi32>
    %eq3A_397 = arith.cmpi eq, %select_n3A_394, %eq3A_396 : vector<1x1x1x96xi32>
    %and3A_398 = arith.andi %lt3A_363, %eq3A_397 : vector<1x1x1x96xi1>
    %jit3A_399 = arith.constant 6.400000e+01 : f32
    %jit3A_400 = arith.constant 0.000000e+00 : f32
    %broadcast_in_dim3A_401 = vector.broadcast %jit3A_399 : f32 to vector<1x1x1x96xf32>
    %broadcast_in_dim3A_402 = vector.broadcast %jit3A_400 : f32 to vector<1x1x1x96xf32>
    %select_n3A_403 = arith.select %and3A_398, %broadcast_in_dim3A_401, %broadcast_in_dim3A_402 : vector<1x1x1x96xi1>, vector<1x1x1x96xf32>
    %add3A_404 = arith.addf %add3A_360, %select_n3A_403 : vector<1x1x1x96xf32>
    %ge3A = arith.constant 64 : i32
    %ge3A_405 = vector.broadcast %ge3A : i32 to vector<1x1x1x96xi32>
    %ge3A_406 = arith.cmpi sge, %iota3A_55, %ge3A_405 : vector<1x1x1x96xi32>
    %sub3A_407 = arith.constant 64 : i32
    %sub3A_408 = vector.broadcast %sub3A_407 : i32 to vector<1x1x1x96xi32>
    %sub3A_409 = arith.subi %iota3A_55, %sub3A_408 : vector<1x1x1x96xi32>
    %jit3A_410 = arith.constant 8 : i32
    %div3A_411 = vector.broadcast %jit3A_410 : i32 to vector<1x1x1x96xi32>
    %div3A_412 = arith.divsi %sub3A_409, %div3A_411 : vector<1x1x1x96xi32>
    %sign3A_413 = arith.constant 0 : i32
    %sign3A_414 = vector.broadcast %sign3A_413 : i32 to vector<1x1x1x96xi32>
    %sign3A_415 = arith.cmpi sgt, %sub3A_409, %sign3A_414 : vector<1x1x1x96xi32>
    %sign3A_416 = arith.extui %sign3A_415 : vector<1x1x1x96xi1> to vector<1x1x1x96xi32>
    %sign3A_417 = arith.constant 0 : i32
    %sign3A_418 = vector.broadcast %sign3A_417 : i32 to vector<1x1x1x96xi32>
    %sign3A_419 = arith.cmpi slt, %sub3A_409, %sign3A_418 : vector<1x1x1x96xi32>
    %sign3A_420 = arith.extui %sign3A_419 : vector<1x1x1x96xi1> to vector<1x1x1x96xi32>
    %sign3A_421 = arith.subi %sign3A_416, %sign3A_420 : vector<1x1x1x96xi32>
    %sign3A_422 = arith.constant 0 : i32
    %sign3A_423 = arith.cmpi sgt, %jit3A_410, %sign3A_422 : i32
    %sign3A_424 = arith.extui %sign3A_423 : i1 to i32
    %sign3A_425 = arith.constant 0 : i32
    %sign3A_426 = arith.cmpi slt, %jit3A_410, %sign3A_425 : i32
    %sign3A_427 = arith.extui %sign3A_426 : i1 to i32
    %sign3A_428 = arith.subi %sign3A_424, %sign3A_427 : i32
    %ne3A_429 = vector.broadcast %sign3A_428 : i32 to vector<1x1x1x96xi32>
    %ne3A_430 = arith.cmpi ne, %sign3A_421, %ne3A_429 : vector<1x1x1x96xi32>
    %rem3A_431 = vector.broadcast %jit3A_410 : i32 to vector<1x1x1x96xi32>
    %rem3A_432 = arith.remsi %sub3A_409, %rem3A_431 : vector<1x1x1x96xi32>
    %ne3A_433 = arith.constant 0 : i32
    %ne3A_434 = vector.broadcast %ne3A_433 : i32 to vector<1x1x1x96xi32>
    %ne3A_435 = arith.cmpi ne, %rem3A_432, %ne3A_434 : vector<1x1x1x96xi32>
    %and3A_436 = arith.andi %ne3A_430, %ne3A_435 : vector<1x1x1x96xi1>
    %sub3A_437 = arith.constant 1 : i32
    %sub3A_438 = vector.broadcast %sub3A_437 : i32 to vector<1x1x1x96xi32>
    %sub3A_439 = arith.subi %div3A_412, %sub3A_438 : vector<1x1x1x96xi32>
    %select_n3A_440 = arith.select %and3A_436, %sub3A_439, %div3A_412 : vector<1x1x1x96xi1>, vector<1x1x1x96xi32>
    %eq3A_441 = arith.constant 0 : i32
    %eq3A_442 = vector.broadcast %eq3A_441 : i32 to vector<1x1x1x96xi32>
    %eq3A_443 = arith.cmpi eq, %select_n3A_440, %eq3A_442 : vector<1x1x1x96xi32>
    %and3A_444 = arith.andi %ge3A_406, %eq3A_443 : vector<1x1x1x96xi1>
    %jit3A_445 = arith.constant 8.000000e+00 : f32
    %jit3A_446 = arith.constant 0.000000e+00 : f32
    %broadcast_in_dim3A_447 = vector.broadcast %jit3A_445 : f32 to vector<1x1x1x96xf32>
    %broadcast_in_dim3A_448 = vector.broadcast %jit3A_446 : f32 to vector<1x1x1x96xf32>
    %select_n3A_449 = arith.select %and3A_444, %broadcast_in_dim3A_447, %broadcast_in_dim3A_448 : vector<1x1x1x96xi1>, vector<1x1x1x96xf32>
    %add3A_450 = arith.addf %add3A_404, %select_n3A_449 : vector<1x1x1x96xf32>
    %ge3A_451 = arith.constant 64 : i32
    %ge3A_452 = vector.broadcast %ge3A_451 : i32 to vector<1x1x1x96xi32>
    %ge3A_453 = arith.cmpi sge, %iota3A_55, %ge3A_452 : vector<1x1x1x96xi32>
    %sub3A_454 = arith.constant 64 : i32
    %sub3A_455 = vector.broadcast %sub3A_454 : i32 to vector<1x1x1x96xi32>
    %sub3A_456 = arith.subi %iota3A_55, %sub3A_455 : vector<1x1x1x96xi32>
    %jit3A_457 = arith.constant 8 : i32
    %div3A_458 = vector.broadcast %jit3A_457 : i32 to vector<1x1x1x96xi32>
    %div3A_459 = arith.divsi %sub3A_456, %div3A_458 : vector<1x1x1x96xi32>
    %sign3A_460 = arith.constant 0 : i32
    %sign3A_461 = vector.broadcast %sign3A_460 : i32 to vector<1x1x1x96xi32>
    %sign3A_462 = arith.cmpi sgt, %sub3A_456, %sign3A_461 : vector<1x1x1x96xi32>
    %sign3A_463 = arith.extui %sign3A_462 : vector<1x1x1x96xi1> to vector<1x1x1x96xi32>
    %sign3A_464 = arith.constant 0 : i32
    %sign3A_465 = vector.broadcast %sign3A_464 : i32 to vector<1x1x1x96xi32>
    %sign3A_466 = arith.cmpi slt, %sub3A_456, %sign3A_465 : vector<1x1x1x96xi32>
    %sign3A_467 = arith.extui %sign3A_466 : vector<1x1x1x96xi1> to vector<1x1x1x96xi32>
    %sign3A_468 = arith.subi %sign3A_463, %sign3A_467 : vector<1x1x1x96xi32>
    %sign3A_469 = arith.constant 0 : i32
    %sign3A_470 = arith.cmpi sgt, %jit3A_457, %sign3A_469 : i32
    %sign3A_471 = arith.extui %sign3A_470 : i1 to i32
    %sign3A_472 = arith.constant 0 : i32
    %sign3A_473 = arith.cmpi slt, %jit3A_457, %sign3A_472 : i32
    %sign3A_474 = arith.extui %sign3A_473 : i1 to i32
    %sign3A_475 = arith.subi %sign3A_471, %sign3A_474 : i32
    %ne3A_476 = vector.broadcast %sign3A_475 : i32 to vector<1x1x1x96xi32>
    %ne3A_477 = arith.cmpi ne, %sign3A_468, %ne3A_476 : vector<1x1x1x96xi32>
    %rem3A_478 = vector.broadcast %jit3A_457 : i32 to vector<1x1x1x96xi32>
    %rem3A_479 = arith.remsi %sub3A_456, %rem3A_478 : vector<1x1x1x96xi32>
    %ne3A_480 = arith.constant 0 : i32
    %ne3A_481 = vector.broadcast %ne3A_480 : i32 to vector<1x1x1x96xi32>
    %ne3A_482 = arith.cmpi ne, %rem3A_479, %ne3A_481 : vector<1x1x1x96xi32>
    %and3A_483 = arith.andi %ne3A_477, %ne3A_482 : vector<1x1x1x96xi1>
    %sub3A_484 = arith.constant 1 : i32
    %sub3A_485 = vector.broadcast %sub3A_484 : i32 to vector<1x1x1x96xi32>
    %sub3A_486 = arith.subi %div3A_459, %sub3A_485 : vector<1x1x1x96xi32>
    %select_n3A_487 = arith.select %and3A_483, %sub3A_486, %div3A_459 : vector<1x1x1x96xi1>, vector<1x1x1x96xi32>
    %eq3A_488 = arith.constant 1 : i32
    %eq3A_489 = vector.broadcast %eq3A_488 : i32 to vector<1x1x1x96xi32>
    %eq3A_490 = arith.cmpi eq, %select_n3A_487, %eq3A_489 : vector<1x1x1x96xi32>
    %and3A_491 = arith.andi %ge3A_453, %eq3A_490 : vector<1x1x1x96xi1>
    %jit3A_492 = arith.constant 1.600000e+01 : f32
    %jit3A_493 = arith.constant 0.000000e+00 : f32
    %broadcast_in_dim3A_494 = vector.broadcast %jit3A_492 : f32 to vector<1x1x1x96xf32>
    %broadcast_in_dim3A_495 = vector.broadcast %jit3A_493 : f32 to vector<1x1x1x96xf32>
    %select_n3A_496 = arith.select %and3A_491, %broadcast_in_dim3A_494, %broadcast_in_dim3A_495 : vector<1x1x1x96xi1>, vector<1x1x1x96xf32>
    %add3A_497 = arith.addf %add3A_450, %select_n3A_496 : vector<1x1x1x96xf32>
    %ge3A_498 = arith.constant 64 : i32
    %ge3A_499 = vector.broadcast %ge3A_498 : i32 to vector<1x1x1x96xi32>
    %ge3A_500 = arith.cmpi sge, %iota3A_55, %ge3A_499 : vector<1x1x1x96xi32>
    %sub3A_501 = arith.constant 64 : i32
    %sub3A_502 = vector.broadcast %sub3A_501 : i32 to vector<1x1x1x96xi32>
    %sub3A_503 = arith.subi %iota3A_55, %sub3A_502 : vector<1x1x1x96xi32>
    %jit3A_504 = arith.constant 8 : i32
    %div3A_505 = vector.broadcast %jit3A_504 : i32 to vector<1x1x1x96xi32>
    %div3A_506 = arith.divsi %sub3A_503, %div3A_505 : vector<1x1x1x96xi32>
    %sign3A_507 = arith.constant 0 : i32
    %sign3A_508 = vector.broadcast %sign3A_507 : i32 to vector<1x1x1x96xi32>
    %sign3A_509 = arith.cmpi sgt, %sub3A_503, %sign3A_508 : vector<1x1x1x96xi32>
    %sign3A_510 = arith.extui %sign3A_509 : vector<1x1x1x96xi1> to vector<1x1x1x96xi32>
    %sign3A_511 = arith.constant 0 : i32
    %sign3A_512 = vector.broadcast %sign3A_511 : i32 to vector<1x1x1x96xi32>
    %sign3A_513 = arith.cmpi slt, %sub3A_503, %sign3A_512 : vector<1x1x1x96xi32>
    %sign3A_514 = arith.extui %sign3A_513 : vector<1x1x1x96xi1> to vector<1x1x1x96xi32>
    %sign3A_515 = arith.subi %sign3A_510, %sign3A_514 : vector<1x1x1x96xi32>
    %sign3A_516 = arith.constant 0 : i32
    %sign3A_517 = arith.cmpi sgt, %jit3A_504, %sign3A_516 : i32
    %sign3A_518 = arith.extui %sign3A_517 : i1 to i32
    %sign3A_519 = arith.constant 0 : i32
    %sign3A_520 = arith.cmpi slt, %jit3A_504, %sign3A_519 : i32
    %sign3A_521 = arith.extui %sign3A_520 : i1 to i32
    %sign3A_522 = arith.subi %sign3A_518, %sign3A_521 : i32
    %ne3A_523 = vector.broadcast %sign3A_522 : i32 to vector<1x1x1x96xi32>
    %ne3A_524 = arith.cmpi ne, %sign3A_515, %ne3A_523 : vector<1x1x1x96xi32>
    %rem3A_525 = vector.broadcast %jit3A_504 : i32 to vector<1x1x1x96xi32>
    %rem3A_526 = arith.remsi %sub3A_503, %rem3A_525 : vector<1x1x1x96xi32>
    %ne3A_527 = arith.constant 0 : i32
    %ne3A_528 = vector.broadcast %ne3A_527 : i32 to vector<1x1x1x96xi32>
    %ne3A_529 = arith.cmpi ne, %rem3A_526, %ne3A_528 : vector<1x1x1x96xi32>
    %and3A_530 = arith.andi %ne3A_524, %ne3A_529 : vector<1x1x1x96xi1>
    %sub3A_531 = arith.constant 1 : i32
    %sub3A_532 = vector.broadcast %sub3A_531 : i32 to vector<1x1x1x96xi32>
    %sub3A_533 = arith.subi %div3A_506, %sub3A_532 : vector<1x1x1x96xi32>
    %select_n3A_534 = arith.select %and3A_530, %sub3A_533, %div3A_506 : vector<1x1x1x96xi1>, vector<1x1x1x96xi32>
    %eq3A_535 = arith.constant 2 : i32
    %eq3A_536 = vector.broadcast %eq3A_535 : i32 to vector<1x1x1x96xi32>
    %eq3A_537 = arith.cmpi eq, %select_n3A_534, %eq3A_536 : vector<1x1x1x96xi32>
    %and3A_538 = arith.andi %ge3A_500, %eq3A_537 : vector<1x1x1x96xi1>
    %jit3A_539 = arith.constant 3.200000e+01 : f32
    %jit3A_540 = arith.constant 0.000000e+00 : f32
    %broadcast_in_dim3A_541 = vector.broadcast %jit3A_539 : f32 to vector<1x1x1x96xf32>
    %broadcast_in_dim3A_542 = vector.broadcast %jit3A_540 : f32 to vector<1x1x1x96xf32>
    %select_n3A_543 = arith.select %and3A_538, %broadcast_in_dim3A_541, %broadcast_in_dim3A_542 : vector<1x1x1x96xi1>, vector<1x1x1x96xf32>
    %add3A_544 = arith.addf %add3A_497, %select_n3A_543 : vector<1x1x1x96xf32>
    %ge3A_545 = arith.constant 64 : i32
    %ge3A_546 = vector.broadcast %ge3A_545 : i32 to vector<1x1x1x96xi32>
    %ge3A_547 = arith.cmpi sge, %iota3A_55, %ge3A_546 : vector<1x1x1x96xi32>
    %sub3A_548 = arith.constant 64 : i32
    %sub3A_549 = vector.broadcast %sub3A_548 : i32 to vector<1x1x1x96xi32>
    %sub3A_550 = arith.subi %iota3A_55, %sub3A_549 : vector<1x1x1x96xi32>
    %jit3A_551 = arith.constant 8 : i32
    %div3A_552 = vector.broadcast %jit3A_551 : i32 to vector<1x1x1x96xi32>
    %div3A_553 = arith.divsi %sub3A_550, %div3A_552 : vector<1x1x1x96xi32>
    %sign3A_554 = arith.constant 0 : i32
    %sign3A_555 = vector.broadcast %sign3A_554 : i32 to vector<1x1x1x96xi32>
    %sign3A_556 = arith.cmpi sgt, %sub3A_550, %sign3A_555 : vector<1x1x1x96xi32>
    %sign3A_557 = arith.extui %sign3A_556 : vector<1x1x1x96xi1> to vector<1x1x1x96xi32>
    %sign3A_558 = arith.constant 0 : i32
    %sign3A_559 = vector.broadcast %sign3A_558 : i32 to vector<1x1x1x96xi32>
    %sign3A_560 = arith.cmpi slt, %sub3A_550, %sign3A_559 : vector<1x1x1x96xi32>
    %sign3A_561 = arith.extui %sign3A_560 : vector<1x1x1x96xi1> to vector<1x1x1x96xi32>
    %sign3A_562 = arith.subi %sign3A_557, %sign3A_561 : vector<1x1x1x96xi32>
    %sign3A_563 = arith.constant 0 : i32
    %sign3A_564 = arith.cmpi sgt, %jit3A_551, %sign3A_563 : i32
    %sign3A_565 = arith.extui %sign3A_564 : i1 to i32
    %sign3A_566 = arith.constant 0 : i32
    %sign3A_567 = arith.cmpi slt, %jit3A_551, %sign3A_566 : i32
    %sign3A_568 = arith.extui %sign3A_567 : i1 to i32
    %sign3A_569 = arith.subi %sign3A_565, %sign3A_568 : i32
    %ne3A_570 = vector.broadcast %sign3A_569 : i32 to vector<1x1x1x96xi32>
    %ne3A_571 = arith.cmpi ne, %sign3A_562, %ne3A_570 : vector<1x1x1x96xi32>
    %rem3A_572 = vector.broadcast %jit3A_551 : i32 to vector<1x1x1x96xi32>
    %rem3A_573 = arith.remsi %sub3A_550, %rem3A_572 : vector<1x1x1x96xi32>
    %ne3A_574 = arith.constant 0 : i32
    %ne3A_575 = vector.broadcast %ne3A_574 : i32 to vector<1x1x1x96xi32>
    %ne3A_576 = arith.cmpi ne, %rem3A_573, %ne3A_575 : vector<1x1x1x96xi32>
    %and3A_577 = arith.andi %ne3A_571, %ne3A_576 : vector<1x1x1x96xi1>
    %sub3A_578 = arith.constant 1 : i32
    %sub3A_579 = vector.broadcast %sub3A_578 : i32 to vector<1x1x1x96xi32>
    %sub3A_580 = arith.subi %div3A_553, %sub3A_579 : vector<1x1x1x96xi32>
    %select_n3A_581 = arith.select %and3A_577, %sub3A_580, %div3A_553 : vector<1x1x1x96xi1>, vector<1x1x1x96xi32>
    %eq3A_582 = arith.constant 3 : i32
    %eq3A_583 = vector.broadcast %eq3A_582 : i32 to vector<1x1x1x96xi32>
    %eq3A_584 = arith.cmpi eq, %select_n3A_581, %eq3A_583 : vector<1x1x1x96xi32>
    %and3A_585 = arith.andi %ge3A_547, %eq3A_584 : vector<1x1x1x96xi1>
    %jit3A_586 = arith.constant 6.400000e+01 : f32
    %jit3A_587 = arith.constant 0.000000e+00 : f32
    %broadcast_in_dim3A_588 = vector.broadcast %jit3A_586 : f32 to vector<1x1x1x96xf32>
    %broadcast_in_dim3A_589 = vector.broadcast %jit3A_587 : f32 to vector<1x1x1x96xf32>
    %select_n3A_590 = arith.select %and3A_585, %broadcast_in_dim3A_588, %broadcast_in_dim3A_589 : vector<1x1x1x96xi1>, vector<1x1x1x96xf32>
    %add3A_591 = arith.addf %add3A_544, %select_n3A_590 : vector<1x1x1x96xf32>
    %broadcast_in_dim3A_592 = arith.constant 0.000000e+00 : f32
    %broadcast_in_dim3A_593 = vector.broadcast %broadcast_in_dim3A_592 : f32 to vector<1x1x1x96xf32>
    %jit3A_594 = arith.constant 8 : i32
    %eq3A_595 = arith.constant 0 : i32
    %eq3A_596 = arith.cmpi eq, %jit3A_594, %eq3A_595 : i32
    %jit3A_597 = arith.constant 1 : i32
    %select_n3A_598 = arith.select %eq3A_596, %jit3A_597, %jit3A_594 : i32
    %rem3A_599 = vector.broadcast %select_n3A_598 : i32 to vector<1x1x1x96xi32>
    %rem3A_600 = arith.remsi %iota3A_55, %rem3A_599 : vector<1x1x1x96xi32>
    %ne3A_601 = arith.constant 0 : i32
    %ne3A_602 = vector.broadcast %ne3A_601 : i32 to vector<1x1x1x96xi32>
    %ne3A_603 = arith.cmpi ne, %rem3A_600, %ne3A_602 : vector<1x1x1x96xi32>
    %lt3A_604 = arith.constant 0 : i32
    %lt3A_605 = vector.broadcast %lt3A_604 : i32 to vector<1x1x1x96xi32>
    %lt3A_606 = arith.cmpi slt, %rem3A_600, %lt3A_605 : vector<1x1x1x96xi32>
    %lt3A_607 = arith.constant 0 : i32
    %lt3A_608 = arith.cmpi slt, %select_n3A_598, %lt3A_607 : i32
    %ne3A_609 = vector.broadcast %lt3A_608 : i1 to vector<1x1x1x96xi1>
    %ne3A_610 = vector.broadcast %ne3A_609 : vector<1x1x1x96xi1> to vector<1x1x1x96xi1>
    %ne3A_611 = arith.xori %lt3A_606, %ne3A_610 : vector<1x1x1x96xi1>
    %and3A_612 = arith.andi %ne3A_611, %ne3A_603 : vector<1x1x1x96xi1>
    %add3A_613 = vector.broadcast %select_n3A_598 : i32 to vector<1x1x1x96xi32>
    %add3A_614 = arith.addi %rem3A_600, %add3A_613 : vector<1x1x1x96xi32>
    %select_n3A_615 = arith.select %and3A_612, %add3A_614, %rem3A_600 : vector<1x1x1x96xi1>, vector<1x1x1x96xi32>
    %eq3A_616 = arith.constant 0 : i32
    %eq3A_617 = vector.broadcast %eq3A_616 : i32 to vector<1x1x1x96xi32>
    %eq3A_618 = arith.cmpi eq, %select_n3A_615, %eq3A_617 : vector<1x1x1x96xi32>
    %jit3A_619 = arith.constant 0.899999976 : f32
    %jit3A_620 = arith.constant 0.000000e+00 : f32
    %broadcast_in_dim3A_621 = vector.broadcast %jit3A_619 : f32 to vector<1x1x1x96xf32>
    %broadcast_in_dim3A_622 = vector.broadcast %jit3A_620 : f32 to vector<1x1x1x96xf32>
    %select_n3A_623 = arith.select %eq3A_618, %broadcast_in_dim3A_621, %broadcast_in_dim3A_622 : vector<1x1x1x96xi1>, vector<1x1x1x96xf32>
    %add3A_624 = arith.addf %broadcast_in_dim3A_593, %select_n3A_623 : vector<1x1x1x96xf32>
    %jit3A_625 = arith.constant 8 : i32
    %eq3A_626 = arith.constant 0 : i32
    %eq3A_627 = arith.cmpi eq, %jit3A_625, %eq3A_626 : i32
    %jit3A_628 = arith.constant 1 : i32
    %select_n3A_629 = arith.select %eq3A_627, %jit3A_628, %jit3A_625 : i32
    %rem3A_630 = vector.broadcast %select_n3A_629 : i32 to vector<1x1x1x96xi32>
    %rem3A_631 = arith.remsi %iota3A_55, %rem3A_630 : vector<1x1x1x96xi32>
    %ne3A_632 = arith.constant 0 : i32
    %ne3A_633 = vector.broadcast %ne3A_632 : i32 to vector<1x1x1x96xi32>
    %ne3A_634 = arith.cmpi ne, %rem3A_631, %ne3A_633 : vector<1x1x1x96xi32>
    %lt3A_635 = arith.constant 0 : i32
    %lt3A_636 = vector.broadcast %lt3A_635 : i32 to vector<1x1x1x96xi32>
    %lt3A_637 = arith.cmpi slt, %rem3A_631, %lt3A_636 : vector<1x1x1x96xi32>
    %lt3A_638 = arith.constant 0 : i32
    %lt3A_639 = arith.cmpi slt, %select_n3A_629, %lt3A_638 : i32
    %ne3A_640 = vector.broadcast %lt3A_639 : i1 to vector<1x1x1x96xi1>
    %ne3A_641 = vector.broadcast %ne3A_640 : vector<1x1x1x96xi1> to vector<1x1x1x96xi1>
    %ne3A_642 = arith.xori %lt3A_637, %ne3A_641 : vector<1x1x1x96xi1>
    %and3A_643 = arith.andi %ne3A_642, %ne3A_634 : vector<1x1x1x96xi1>
    %add3A_644 = vector.broadcast %select_n3A_629 : i32 to vector<1x1x1x96xi32>
    %add3A_645 = arith.addi %rem3A_631, %add3A_644 : vector<1x1x1x96xi32>
    %select_n3A_646 = arith.select %and3A_643, %add3A_645, %rem3A_631 : vector<1x1x1x96xi1>, vector<1x1x1x96xi32>
    %eq3A_647 = arith.constant 1 : i32
    %eq3A_648 = vector.broadcast %eq3A_647 : i32 to vector<1x1x1x96xi32>
    %eq3A_649 = arith.cmpi eq, %select_n3A_646, %eq3A_648 : vector<1x1x1x96xi32>
    %jit3A_650 = arith.constant 1.42857146 : f32
    %jit3A_651 = arith.constant 0.000000e+00 : f32
    %broadcast_in_dim3A_652 = vector.broadcast %jit3A_650 : f32 to vector<1x1x1x96xf32>
    %broadcast_in_dim3A_653 = vector.broadcast %jit3A_651 : f32 to vector<1x1x1x96xf32>
    %select_n3A_654 = arith.select %eq3A_649, %broadcast_in_dim3A_652, %broadcast_in_dim3A_653 : vector<1x1x1x96xi1>, vector<1x1x1x96xf32>
    %add3A_655 = arith.addf %add3A_624, %select_n3A_654 : vector<1x1x1x96xf32>
    %jit3A_656 = arith.constant 8 : i32
    %eq3A_657 = arith.constant 0 : i32
    %eq3A_658 = arith.cmpi eq, %jit3A_656, %eq3A_657 : i32
    %jit3A_659 = arith.constant 1 : i32
    %select_n3A_660 = arith.select %eq3A_658, %jit3A_659, %jit3A_656 : i32
    %rem3A_661 = vector.broadcast %select_n3A_660 : i32 to vector<1x1x1x96xi32>
    %rem3A_662 = arith.remsi %iota3A_55, %rem3A_661 : vector<1x1x1x96xi32>
    %ne3A_663 = arith.constant 0 : i32
    %ne3A_664 = vector.broadcast %ne3A_663 : i32 to vector<1x1x1x96xi32>
    %ne3A_665 = arith.cmpi ne, %rem3A_662, %ne3A_664 : vector<1x1x1x96xi32>
    %lt3A_666 = arith.constant 0 : i32
    %lt3A_667 = vector.broadcast %lt3A_666 : i32 to vector<1x1x1x96xi32>
    %lt3A_668 = arith.cmpi slt, %rem3A_662, %lt3A_667 : vector<1x1x1x96xi32>
    %lt3A_669 = arith.constant 0 : i32
    %lt3A_670 = arith.cmpi slt, %select_n3A_660, %lt3A_669 : i32
    %ne3A_671 = vector.broadcast %lt3A_670 : i1 to vector<1x1x1x96xi1>
    %ne3A_672 = vector.broadcast %ne3A_671 : vector<1x1x1x96xi1> to vector<1x1x1x96xi1>
    %ne3A_673 = arith.xori %lt3A_668, %ne3A_672 : vector<1x1x1x96xi1>
    %and3A_674 = arith.andi %ne3A_673, %ne3A_665 : vector<1x1x1x96xi1>
    %add3A_675 = vector.broadcast %select_n3A_660 : i32 to vector<1x1x1x96xi32>
    %add3A_676 = arith.addi %rem3A_662, %add3A_675 : vector<1x1x1x96xi32>
    %select_n3A_677 = arith.select %and3A_674, %add3A_676, %rem3A_662 : vector<1x1x1x96xi1>, vector<1x1x1x96xi32>
    %eq3A_678 = arith.constant 2 : i32
    %eq3A_679 = vector.broadcast %eq3A_678 : i32 to vector<1x1x1x96xi32>
    %eq3A_680 = arith.cmpi eq, %select_n3A_677, %eq3A_679 : vector<1x1x1x96xi32>
    %jit3A_681 = arith.constant 1.95714283 : f32
    %jit3A_682 = arith.constant 0.000000e+00 : f32
    %broadcast_in_dim3A_683 = vector.broadcast %jit3A_681 : f32 to vector<1x1x1x96xf32>
    %broadcast_in_dim3A_684 = vector.broadcast %jit3A_682 : f32 to vector<1x1x1x96xf32>
    %select_n3A_685 = arith.select %eq3A_680, %broadcast_in_dim3A_683, %broadcast_in_dim3A_684 : vector<1x1x1x96xi1>, vector<1x1x1x96xf32>
    %add3A_686 = arith.addf %add3A_655, %select_n3A_685 : vector<1x1x1x96xf32>
    %jit3A_687 = arith.constant 8 : i32
    %eq3A_688 = arith.constant 0 : i32
    %eq3A_689 = arith.cmpi eq, %jit3A_687, %eq3A_688 : i32
    %jit3A_690 = arith.constant 1 : i32
    %select_n3A_691 = arith.select %eq3A_689, %jit3A_690, %jit3A_687 : i32
    %rem3A_692 = vector.broadcast %select_n3A_691 : i32 to vector<1x1x1x96xi32>
    %rem3A_693 = arith.remsi %iota3A_55, %rem3A_692 : vector<1x1x1x96xi32>
    %ne3A_694 = arith.constant 0 : i32
    %ne3A_695 = vector.broadcast %ne3A_694 : i32 to vector<1x1x1x96xi32>
    %ne3A_696 = arith.cmpi ne, %rem3A_693, %ne3A_695 : vector<1x1x1x96xi32>
    %lt3A_697 = arith.constant 0 : i32
    %lt3A_698 = vector.broadcast %lt3A_697 : i32 to vector<1x1x1x96xi32>
    %lt3A_699 = arith.cmpi slt, %rem3A_693, %lt3A_698 : vector<1x1x1x96xi32>
    %lt3A_700 = arith.constant 0 : i32
    %lt3A_701 = arith.cmpi slt, %select_n3A_691, %lt3A_700 : i32
    %ne3A_702 = vector.broadcast %lt3A_701 : i1 to vector<1x1x1x96xi1>
    %ne3A_703 = vector.broadcast %ne3A_702 : vector<1x1x1x96xi1> to vector<1x1x1x96xi1>
    %ne3A_704 = arith.xori %lt3A_699, %ne3A_703 : vector<1x1x1x96xi1>
    %and3A_705 = arith.andi %ne3A_704, %ne3A_696 : vector<1x1x1x96xi1>
    %add3A_706 = vector.broadcast %select_n3A_691 : i32 to vector<1x1x1x96xi32>
    %add3A_707 = arith.addi %rem3A_693, %add3A_706 : vector<1x1x1x96xi32>
    %select_n3A_708 = arith.select %and3A_705, %add3A_707, %rem3A_693 : vector<1x1x1x96xi1>, vector<1x1x1x96xi32>
    %eq3A_709 = arith.constant 3 : i32
    %eq3A_710 = vector.broadcast %eq3A_709 : i32 to vector<1x1x1x96xi32>
    %eq3A_711 = arith.cmpi eq, %select_n3A_708, %eq3A_710 : vector<1x1x1x96xi32>
    %jit3A_712 = arith.constant 2.4857142 : f32
    %jit3A_713 = arith.constant 0.000000e+00 : f32
    %broadcast_in_dim3A_714 = vector.broadcast %jit3A_712 : f32 to vector<1x1x1x96xf32>
    %broadcast_in_dim3A_715 = vector.broadcast %jit3A_713 : f32 to vector<1x1x1x96xf32>
    %select_n3A_716 = arith.select %eq3A_711, %broadcast_in_dim3A_714, %broadcast_in_dim3A_715 : vector<1x1x1x96xi1>, vector<1x1x1x96xf32>
    %add3A_717 = arith.addf %add3A_686, %select_n3A_716 : vector<1x1x1x96xf32>
    %jit3A_718 = arith.constant 8 : i32
    %eq3A_719 = arith.constant 0 : i32
    %eq3A_720 = arith.cmpi eq, %jit3A_718, %eq3A_719 : i32
    %jit3A_721 = arith.constant 1 : i32
    %select_n3A_722 = arith.select %eq3A_720, %jit3A_721, %jit3A_718 : i32
    %rem3A_723 = vector.broadcast %select_n3A_722 : i32 to vector<1x1x1x96xi32>
    %rem3A_724 = arith.remsi %iota3A_55, %rem3A_723 : vector<1x1x1x96xi32>
    %ne3A_725 = arith.constant 0 : i32
    %ne3A_726 = vector.broadcast %ne3A_725 : i32 to vector<1x1x1x96xi32>
    %ne3A_727 = arith.cmpi ne, %rem3A_724, %ne3A_726 : vector<1x1x1x96xi32>
    %lt3A_728 = arith.constant 0 : i32
    %lt3A_729 = vector.broadcast %lt3A_728 : i32 to vector<1x1x1x96xi32>
    %lt3A_730 = arith.cmpi slt, %rem3A_724, %lt3A_729 : vector<1x1x1x96xi32>
    %lt3A_731 = arith.constant 0 : i32
    %lt3A_732 = arith.cmpi slt, %select_n3A_722, %lt3A_731 : i32
    %ne3A_733 = vector.broadcast %lt3A_732 : i1 to vector<1x1x1x96xi1>
    %ne3A_734 = vector.broadcast %ne3A_733 : vector<1x1x1x96xi1> to vector<1x1x1x96xi1>
    %ne3A_735 = arith.xori %lt3A_730, %ne3A_734 : vector<1x1x1x96xi1>
    %and3A_736 = arith.andi %ne3A_735, %ne3A_727 : vector<1x1x1x96xi1>
    %add3A_737 = vector.broadcast %select_n3A_722 : i32 to vector<1x1x1x96xi32>
    %add3A_738 = arith.addi %rem3A_724, %add3A_737 : vector<1x1x1x96xi32>
    %select_n3A_739 = arith.select %and3A_736, %add3A_738, %rem3A_724 : vector<1x1x1x96xi1>, vector<1x1x1x96xi32>
    %eq3A_740 = arith.constant 4 : i32
    %eq3A_741 = vector.broadcast %eq3A_740 : i32 to vector<1x1x1x96xi32>
    %eq3A_742 = arith.cmpi eq, %select_n3A_739, %eq3A_741 : vector<1x1x1x96xi32>
    %jit3A_743 = arith.constant 3.0142858 : f32
    %jit3A_744 = arith.constant 0.000000e+00 : f32
    %broadcast_in_dim3A_745 = vector.broadcast %jit3A_743 : f32 to vector<1x1x1x96xf32>
    %broadcast_in_dim3A_746 = vector.broadcast %jit3A_744 : f32 to vector<1x1x1x96xf32>
    %select_n3A_747 = arith.select %eq3A_742, %broadcast_in_dim3A_745, %broadcast_in_dim3A_746 : vector<1x1x1x96xi1>, vector<1x1x1x96xf32>
    %add3A_748 = arith.addf %add3A_717, %select_n3A_747 : vector<1x1x1x96xf32>
    %jit3A_749 = arith.constant 8 : i32
    %eq3A_750 = arith.constant 0 : i32
    %eq3A_751 = arith.cmpi eq, %jit3A_749, %eq3A_750 : i32
    %jit3A_752 = arith.constant 1 : i32
    %select_n3A_753 = arith.select %eq3A_751, %jit3A_752, %jit3A_749 : i32
    %rem3A_754 = vector.broadcast %select_n3A_753 : i32 to vector<1x1x1x96xi32>
    %rem3A_755 = arith.remsi %iota3A_55, %rem3A_754 : vector<1x1x1x96xi32>
    %ne3A_756 = arith.constant 0 : i32
    %ne3A_757 = vector.broadcast %ne3A_756 : i32 to vector<1x1x1x96xi32>
    %ne3A_758 = arith.cmpi ne, %rem3A_755, %ne3A_757 : vector<1x1x1x96xi32>
    %lt3A_759 = arith.constant 0 : i32
    %lt3A_760 = vector.broadcast %lt3A_759 : i32 to vector<1x1x1x96xi32>
    %lt3A_761 = arith.cmpi slt, %rem3A_755, %lt3A_760 : vector<1x1x1x96xi32>
    %lt3A_762 = arith.constant 0 : i32
    %lt3A_763 = arith.cmpi slt, %select_n3A_753, %lt3A_762 : i32
    %ne3A_764 = vector.broadcast %lt3A_763 : i1 to vector<1x1x1x96xi1>
    %ne3A_765 = vector.broadcast %ne3A_764 : vector<1x1x1x96xi1> to vector<1x1x1x96xi1>
    %ne3A_766 = arith.xori %lt3A_761, %ne3A_765 : vector<1x1x1x96xi1>
    %and3A_767 = arith.andi %ne3A_766, %ne3A_758 : vector<1x1x1x96xi1>
    %add3A_768 = vector.broadcast %select_n3A_753 : i32 to vector<1x1x1x96xi32>
    %add3A_769 = arith.addi %rem3A_755, %add3A_768 : vector<1x1x1x96xi32>
    %select_n3A_770 = arith.select %and3A_767, %add3A_769, %rem3A_755 : vector<1x1x1x96xi1>, vector<1x1x1x96xi32>
    %eq3A_771 = arith.constant 5 : i32
    %eq3A_772 = vector.broadcast %eq3A_771 : i32 to vector<1x1x1x96xi32>
    %eq3A_773 = arith.cmpi eq, %select_n3A_770, %eq3A_772 : vector<1x1x1x96xi32>
    %jit3A_774 = arith.constant 3.54285717 : f32
    %jit3A_775 = arith.constant 0.000000e+00 : f32
    %broadcast_in_dim3A_776 = vector.broadcast %jit3A_774 : f32 to vector<1x1x1x96xf32>
    %broadcast_in_dim3A_777 = vector.broadcast %jit3A_775 : f32 to vector<1x1x1x96xf32>
    %select_n3A_778 = arith.select %eq3A_773, %broadcast_in_dim3A_776, %broadcast_in_dim3A_777 : vector<1x1x1x96xi1>, vector<1x1x1x96xf32>
    %add3A_779 = arith.addf %add3A_748, %select_n3A_778 : vector<1x1x1x96xf32>
    %jit3A_780 = arith.constant 8 : i32
    %eq3A_781 = arith.constant 0 : i32
    %eq3A_782 = arith.cmpi eq, %jit3A_780, %eq3A_781 : i32
    %jit3A_783 = arith.constant 1 : i32
    %select_n3A_784 = arith.select %eq3A_782, %jit3A_783, %jit3A_780 : i32
    %rem3A_785 = vector.broadcast %select_n3A_784 : i32 to vector<1x1x1x96xi32>
    %rem3A_786 = arith.remsi %iota3A_55, %rem3A_785 : vector<1x1x1x96xi32>
    %ne3A_787 = arith.constant 0 : i32
    %ne3A_788 = vector.broadcast %ne3A_787 : i32 to vector<1x1x1x96xi32>
    %ne3A_789 = arith.cmpi ne, %rem3A_786, %ne3A_788 : vector<1x1x1x96xi32>
    %lt3A_790 = arith.constant 0 : i32
    %lt3A_791 = vector.broadcast %lt3A_790 : i32 to vector<1x1x1x96xi32>
    %lt3A_792 = arith.cmpi slt, %rem3A_786, %lt3A_791 : vector<1x1x1x96xi32>
    %lt3A_793 = arith.constant 0 : i32
    %lt3A_794 = arith.cmpi slt, %select_n3A_784, %lt3A_793 : i32
    %ne3A_795 = vector.broadcast %lt3A_794 : i1 to vector<1x1x1x96xi1>
    %ne3A_796 = vector.broadcast %ne3A_795 : vector<1x1x1x96xi1> to vector<1x1x1x96xi1>
    %ne3A_797 = arith.xori %lt3A_792, %ne3A_796 : vector<1x1x1x96xi1>
    %and3A_798 = arith.andi %ne3A_797, %ne3A_789 : vector<1x1x1x96xi1>
    %add3A_799 = vector.broadcast %select_n3A_784 : i32 to vector<1x1x1x96xi32>
    %add3A_800 = arith.addi %rem3A_786, %add3A_799 : vector<1x1x1x96xi32>
    %select_n3A_801 = arith.select %and3A_798, %add3A_800, %rem3A_786 : vector<1x1x1x96xi1>, vector<1x1x1x96xi32>
    %eq3A_802 = arith.constant 6 : i32
    %eq3A_803 = vector.broadcast %eq3A_802 : i32 to vector<1x1x1x96xi32>
    %eq3A_804 = arith.cmpi eq, %select_n3A_801, %eq3A_803 : vector<1x1x1x96xi32>
    %jit3A_805 = arith.constant 4.07142878 : f32
    %jit3A_806 = arith.constant 0.000000e+00 : f32
    %broadcast_in_dim3A_807 = vector.broadcast %jit3A_805 : f32 to vector<1x1x1x96xf32>
    %broadcast_in_dim3A_808 = vector.broadcast %jit3A_806 : f32 to vector<1x1x1x96xf32>
    %select_n3A_809 = arith.select %eq3A_804, %broadcast_in_dim3A_807, %broadcast_in_dim3A_808 : vector<1x1x1x96xi1>, vector<1x1x1x96xf32>
    %add3A_810 = arith.addf %add3A_779, %select_n3A_809 : vector<1x1x1x96xf32>
    %jit3A_811 = arith.constant 8 : i32
    %eq3A_812 = arith.constant 0 : i32
    %eq3A_813 = arith.cmpi eq, %jit3A_811, %eq3A_812 : i32
    %jit3A_814 = arith.constant 1 : i32
    %select_n3A_815 = arith.select %eq3A_813, %jit3A_814, %jit3A_811 : i32
    %rem3A_816 = vector.broadcast %select_n3A_815 : i32 to vector<1x1x1x96xi32>
    %rem3A_817 = arith.remsi %iota3A_55, %rem3A_816 : vector<1x1x1x96xi32>
    %ne3A_818 = arith.constant 0 : i32
    %ne3A_819 = vector.broadcast %ne3A_818 : i32 to vector<1x1x1x96xi32>
    %ne3A_820 = arith.cmpi ne, %rem3A_817, %ne3A_819 : vector<1x1x1x96xi32>
    %lt3A_821 = arith.constant 0 : i32
    %lt3A_822 = vector.broadcast %lt3A_821 : i32 to vector<1x1x1x96xi32>
    %lt3A_823 = arith.cmpi slt, %rem3A_817, %lt3A_822 : vector<1x1x1x96xi32>
    %lt3A_824 = arith.constant 0 : i32
    %lt3A_825 = arith.cmpi slt, %select_n3A_815, %lt3A_824 : i32
    %ne3A_826 = vector.broadcast %lt3A_825 : i1 to vector<1x1x1x96xi1>
    %ne3A_827 = vector.broadcast %ne3A_826 : vector<1x1x1x96xi1> to vector<1x1x1x96xi1>
    %ne3A_828 = arith.xori %lt3A_823, %ne3A_827 : vector<1x1x1x96xi1>
    %and3A_829 = arith.andi %ne3A_828, %ne3A_820 : vector<1x1x1x96xi1>
    %add3A_830 = vector.broadcast %select_n3A_815 : i32 to vector<1x1x1x96xi32>
    %add3A_831 = arith.addi %rem3A_817, %add3A_830 : vector<1x1x1x96xi32>
    %select_n3A_832 = arith.select %and3A_829, %add3A_831, %rem3A_817 : vector<1x1x1x96xi1>, vector<1x1x1x96xi32>
    %eq3A_833 = arith.constant 7 : i32
    %eq3A_834 = vector.broadcast %eq3A_833 : i32 to vector<1x1x1x96xi32>
    %eq3A_835 = arith.cmpi eq, %select_n3A_832, %eq3A_834 : vector<1x1x1x96xi32>
    %jit3A_836 = arith.constant 4.600000e+00 : f32
    %jit3A_837 = arith.constant 0.000000e+00 : f32
    %broadcast_in_dim3A_838 = vector.broadcast %jit3A_836 : f32 to vector<1x1x1x96xf32>
    %broadcast_in_dim3A_839 = vector.broadcast %jit3A_837 : f32 to vector<1x1x1x96xf32>
    %select_n3A_840 = arith.select %eq3A_835, %broadcast_in_dim3A_838, %broadcast_in_dim3A_839 : vector<1x1x1x96xi1>, vector<1x1x1x96xf32>
    %add3A_841 = arith.addf %add3A_810, %select_n3A_840 : vector<1x1x1x96xf32>
    %neg3A = arith.constant 0.000000e+00 : f32
    %neg3A_842 = vector.broadcast %neg3A : f32 to vector<1x1x1x96xf32>
    %neg3A_843 = arith.subf %neg3A_842, %add3A_591 : vector<1x1x1x96xf32>
    %broadcast_in_dim3A_844 = vector.shape_cast %sqrt3A : vector<8x48x48xf32> to vector<8x48x48x1xf32>
    %sub3A_845 = vector.broadcast %broadcast_in_dim3A_844 : vector<8x48x48x1xf32> to vector<8x48x48x96xf32>
    %sub3A_846 = vector.broadcast %add3A_841 : vector<1x1x1x96xf32> to vector<8x48x48x96xf32>
    %sub3A_847 = arith.subf %sub3A_845, %sub3A_846 : vector<8x48x48x96xf32>
    %integer_pow3A = arith.mulf %sub3A_847, %sub3A_847 : vector<8x48x48x96xf32>
    %mul3A_848 = vector.broadcast %neg3A_843 : vector<1x1x1x96xf32> to vector<8x48x48x96xf32>
    %mul3A_849 = arith.mulf %mul3A_848, %integer_pow3A : vector<8x48x48x96xf32>
    %exp3A = math.exp %mul3A_849 : vector<8x48x48x96xf32>
    %broadcast_in_dim3A_850 = vector.shape_cast %mul3A_54 : vector<8x48x48xf32> to vector<8x48x48x1xf32>
    %mul3A_851 = vector.broadcast %broadcast_in_dim3A_850 : vector<8x48x48x1xf32> to vector<8x48x48x96xf32>
    %mul3A_852 = arith.mulf %exp3A, %mul3A_851 : vector<8x48x48x96xf32>
    %slice3A = vector.extract_strided_slice %mul3A_852 {offsets = [0, 0, 0, 0], sizes = [8, 48, 48, 64], strides = [1, 1, 1, 1]} : vector<8x48x48x96xf32> to vector<8x48x48x64xf32>
    %swap3A = arith.constant 0 : index
    %swap3A_853 = arith.constant 0 : index
    %swap3A_854 = arith.constant 0 : index
    %swap3A_855 = arith.constant 0 : index
    %swap3A_856 = vector.load %arg5[%swap3A, %swap3A_853, %swap3A_854, %swap3A_855] : memref<8x48x48x64xf32, #tpu.memory_space<vmem>>, vector<8x48x48x64xf32>
    tpu.vector_store %arg5[%swap3A, %swap3A_853, %swap3A_854, %swap3A_855], %slice3A {strides = array<i32>} : memref<8x48x48x64xf32, #tpu.memory_space<vmem>>, vector<8x48x48x64xf32>,
    %eq3A_857 = arith.constant 0 : i32
    %eq3A_858 = vector.broadcast %eq3A_857 : i32 to vector<8x48xi32>
    %eq3A_859 = arith.cmpi eq, %get3A_1, %eq3A_858 : vector<8x48xi32>
    %convert_element_type3A_860 = arith.extui %eq3A_859 : vector<8x48xi1> to vector<8x48xi32>
    %convert_element_type3A_861 = arith.sitofp %convert_element_type3A_860 : vector<8x48xi32> to vector<8x48xf32>
    %broadcast_in_dim3A_862 = vector.shape_cast %convert_element_type3A_861 : vector<8x48xf32> to vector<8x1x48x1xf32>
    %mul3A_863 = vector.broadcast %broadcast_in_dim3A_862 : vector<8x1x48x1xf32> to vector<8x48x48x96xf32>
    %mul3A_864 = arith.mulf %mul3A_852, %mul3A_863 : vector<8x48x48x96xf32>
    %reduce_sum3A = arith.constant dense<0.000000e+00> : vector<8x48x96xf32>
    %reduce_sum3A_865 = vector.multi_reduction <add>, %mul3A_864, %reduce_sum3A [2] : vector<8x48x48x96xf32> to vector<8x48x96xf32>
    %slice3A_866 = vector.extract_strided_slice %reduce_sum3A_865 {offsets = [0, 0, 64], sizes = [8, 48, 32], strides = [1, 1, 1]} : vector<8x48x96xf32> to vector<8x48x32xf32>
    %eq3A_867 = arith.constant 1 : i32
    %eq3A_868 = vector.broadcast %eq3A_867 : i32 to vector<8x48xi32>
    %eq3A_869 = arith.cmpi eq, %get3A_1, %eq3A_868 : vector<8x48xi32>
    %convert_element_type3A_870 = arith.extui %eq3A_869 : vector<8x48xi1> to vector<8x48xi32>
    %convert_element_type3A_871 = arith.sitofp %convert_element_type3A_870 : vector<8x48xi32> to vector<8x48xf32>
    %broadcast_in_dim3A_872 = vector.shape_cast %convert_element_type3A_871 : vector<8x48xf32> to vector<8x1x48x1xf32>
    %mul3A_873 = vector.broadcast %broadcast_in_dim3A_872 : vector<8x1x48x1xf32> to vector<8x48x48x96xf32>
    %mul3A_874 = arith.mulf %mul3A_852, %mul3A_873 : vector<8x48x48x96xf32>
    %reduce_sum3A_875 = arith.constant dense<0.000000e+00> : vector<8x48x96xf32>
    %reduce_sum3A_876 = vector.multi_reduction <add>, %mul3A_874, %reduce_sum3A_875 [2] : vector<8x48x48x96xf32> to vector<8x48x96xf32>
    %slice3A_877 = vector.extract_strided_slice %reduce_sum3A_876 {offsets = [0, 0, 64], sizes = [8, 48, 32], strides = [1, 1, 1]} : vector<8x48x96xf32> to vector<8x48x32xf32>
    %eq3A_878 = arith.constant 2 : i32
    %eq3A_879 = vector.broadcast %eq3A_878 : i32 to vector<8x48xi32>
    %eq3A_880 = arith.cmpi eq, %get3A_1, %eq3A_879 : vector<8x48xi32>
    %convert_element_type3A_881 = arith.extui %eq3A_880 : vector<8x48xi1> to vector<8x48xi32>
    %convert_element_type3A_882 = arith.sitofp %convert_element_type3A_881 : vector<8x48xi32> to vector<8x48xf32>
    %broadcast_in_dim3A_883 = vector.shape_cast %convert_element_type3A_882 : vector<8x48xf32> to vector<8x1x48x1xf32>
    %mul3A_884 = vector.broadcast %broadcast_in_dim3A_883 : vector<8x1x48x1xf32> to vector<8x48x48x96xf32>
    %mul3A_885 = arith.mulf %mul3A_852, %mul3A_884 : vector<8x48x48x96xf32>
    %reduce_sum3A_886 = arith.constant dense<0.000000e+00> : vector<8x48x96xf32>
    %reduce_sum3A_887 = vector.multi_reduction <add>, %mul3A_885, %reduce_sum3A_886 [2] : vector<8x48x48x96xf32> to vector<8x48x96xf32>
    %slice3A_888 = vector.extract_strided_slice %reduce_sum3A_887 {offsets = [0, 0, 64], sizes = [8, 48, 32], strides = [1, 1, 1]} : vector<8x48x96xf32> to vector<8x48x32xf32>
    %eq3A_889 = arith.constant 3 : i32
    %eq3A_890 = vector.broadcast %eq3A_889 : i32 to vector<8x48xi32>
    %eq3A_891 = arith.cmpi eq, %get3A_1, %eq3A_890 : vector<8x48xi32>
    %convert_element_type3A_892 = arith.extui %eq3A_891 : vector<8x48xi1> to vector<8x48xi32>
    %convert_element_type3A_893 = arith.sitofp %convert_element_type3A_892 : vector<8x48xi32> to vector<8x48xf32>
    %broadcast_in_dim3A_894 = vector.shape_cast %convert_element_type3A_893 : vector<8x48xf32> to vector<8x1x48x1xf32>
    %mul3A_895 = vector.broadcast %broadcast_in_dim3A_894 : vector<8x1x48x1xf32> to vector<8x48x48x96xf32>
    %mul3A_896 = arith.mulf %mul3A_852, %mul3A_895 : vector<8x48x48x96xf32>
    %reduce_sum3A_897 = arith.constant dense<0.000000e+00> : vector<8x48x96xf32>
    %reduce_sum3A_898 = vector.multi_reduction <add>, %mul3A_896, %reduce_sum3A_897 [2] : vector<8x48x48x96xf32> to vector<8x48x96xf32>
    %slice3A_899 = vector.extract_strided_slice %reduce_sum3A_898 {offsets = [0, 0, 64], sizes = [8, 48, 32], strides = [1, 1, 1]} : vector<8x48x96xf32> to vector<8x48x32xf32>
    %eq3A_900 = arith.constant 4 : i32
    %eq3A_901 = vector.broadcast %eq3A_900 : i32 to vector<8x48xi32>
    %eq3A_902 = arith.cmpi eq, %get3A_1, %eq3A_901 : vector<8x48xi32>
    %convert_element_type3A_903 = arith.extui %eq3A_902 : vector<8x48xi1> to vector<8x48xi32>
    %convert_element_type3A_904 = arith.sitofp %convert_element_type3A_903 : vector<8x48xi32> to vector<8x48xf32>
    %broadcast_in_dim3A_905 = vector.shape_cast %convert_element_type3A_904 : vector<8x48xf32> to vector<8x1x48x1xf32>
    %mul3A_906 = vector.broadcast %broadcast_in_dim3A_905 : vector<8x1x48x1xf32> to vector<8x48x48x96xf32>
    %mul3A_907 = arith.mulf %mul3A_852, %mul3A_906 : vector<8x48x48x96xf32>
    %reduce_sum3A_908 = arith.constant dense<0.000000e+00> : vector<8x48x96xf32>
    %reduce_sum3A_909 = vector.multi_reduction <add>, %mul3A_907, %reduce_sum3A_908 [2] : vector<8x48x48x96xf32> to vector<8x48x96xf32>
    %slice3A_910 = vector.extract_strided_slice %reduce_sum3A_909 {offsets = [0, 0, 64], sizes = [8, 48, 32], strides = [1, 1, 1]} : vector<8x48x96xf32> to vector<8x48x32xf32>
    %eq3A_911 = arith.constant 5 : i32
    %eq3A_912 = vector.broadcast %eq3A_911 : i32 to vector<8x48xi32>
    %eq3A_913 = arith.cmpi eq, %get3A_1, %eq3A_912 : vector<8x48xi32>
    %convert_element_type3A_914 = arith.extui %eq3A_913 : vector<8x48xi1> to vector<8x48xi32>
    %convert_element_type3A_915 = arith.sitofp %convert_element_type3A_914 : vector<8x48xi32> to vector<8x48xf32>
    %broadcast_in_dim3A_916 = vector.shape_cast %convert_element_type3A_915 : vector<8x48xf32> to vector<8x1x48x1xf32>
    %mul3A_917 = vector.broadcast %broadcast_in_dim3A_916 : vector<8x1x48x1xf32> to vector<8x48x48x96xf32>
    %mul3A_918 = arith.mulf %mul3A_852, %mul3A_917 : vector<8x48x48x96xf32>
    %reduce_sum3A_919 = arith.constant dense<0.000000e+00> : vector<8x48x96xf32>
    %reduce_sum3A_920 = vector.multi_reduction <add>, %mul3A_918, %reduce_sum3A_919 [2] : vector<8x48x48x96xf32> to vector<8x48x96xf32>
    %slice3A_921 = vector.extract_strided_slice %reduce_sum3A_920 {offsets = [0, 0, 64], sizes = [8, 48, 32], strides = [1, 1, 1]} : vector<8x48x96xf32> to vector<8x48x32xf32>
    %eq3A_922 = arith.constant 6 : i32
    %eq3A_923 = vector.broadcast %eq3A_922 : i32 to vector<8x48xi32>
    %eq3A_924 = arith.cmpi eq, %get3A_1, %eq3A_923 : vector<8x48xi32>
    %convert_element_type3A_925 = arith.extui %eq3A_924 : vector<8x48xi1> to vector<8x48xi32>
    %convert_element_type3A_926 = arith.sitofp %convert_element_type3A_925 : vector<8x48xi32> to vector<8x48xf32>
    %broadcast_in_dim3A_927 = vector.shape_cast %convert_element_type3A_926 : vector<8x48xf32> to vector<8x1x48x1xf32>
    %mul3A_928 = vector.broadcast %broadcast_in_dim3A_927 : vector<8x1x48x1xf32> to vector<8x48x48x96xf32>
    %mul3A_929 = arith.mulf %mul3A_852, %mul3A_928 : vector<8x48x48x96xf32>
    %reduce_sum3A_930 = arith.constant dense<0.000000e+00> : vector<8x48x96xf32>
    %reduce_sum3A_931 = vector.multi_reduction <add>, %mul3A_929, %reduce_sum3A_930 [2] : vector<8x48x48x96xf32> to vector<8x48x96xf32>
    %slice3A_932 = vector.extract_strided_slice %reduce_sum3A_931 {offsets = [0, 0, 64], sizes = [8, 48, 32], strides = [1, 1, 1]} : vector<8x48x96xf32> to vector<8x48x32xf32>
    %eq3A_933 = arith.constant 7 : i32
    %eq3A_934 = vector.broadcast %eq3A_933 : i32 to vector<8x48xi32>
    %eq3A_935 = arith.cmpi eq, %get3A_1, %eq3A_934 : vector<8x48xi32>
    %convert_element_type3A_936 = arith.extui %eq3A_935 : vector<8x48xi1> to vector<8x48xi32>
    %convert_element_type3A_937 = arith.sitofp %convert_element_type3A_936 : vector<8x48xi32> to vector<8x48xf32>
    %broadcast_in_dim3A_938 = vector.shape_cast %convert_element_type3A_937 : vector<8x48xf32> to vector<8x1x48x1xf32>
    %mul3A_939 = vector.broadcast %broadcast_in_dim3A_938 : vector<8x1x48x1xf32> to vector<8x48x48x96xf32>
    %mul3A_940 = arith.mulf %mul3A_852, %mul3A_939 : vector<8x48x48x96xf32>
    %reduce_sum3A_941 = arith.constant dense<0.000000e+00> : vector<8x48x96xf32>
    %reduce_sum3A_942 = vector.multi_reduction <add>, %mul3A_940, %reduce_sum3A_941 [2] : vector<8x48x48x96xf32> to vector<8x48x96xf32>
    %slice3A_943 = vector.extract_strided_slice %reduce_sum3A_942 {offsets = [0, 0, 64], sizes = [8, 48, 32], strides = [1, 1, 1]} : vector<8x48x96xf32> to vector<8x48x32xf32>
    %concatenate3A = tpu.concatenate %slice3A_866, %slice3A_877, %slice3A_888, %slice3A_899, %slice3A_910, %slice3A_921, %slice3A_932, %slice3A_943 in 2 : vector<8x48x32xf32>, vector<8x48x32xf32>, vector<8x48x32xf32>, vector<8x48x32xf32>, vector<8x48x32xf32>, vector<8x48x32xf32>, vector<8x48x32xf32>, vector<8x48x32xf32> -> vector<8x48x256xf32>
    %swap3A_944 = arith.constant 0 : index
    %swap3A_945 = arith.constant 0 : index
    %swap3A_946 = arith.constant 0 : index
    %swap3A_947 = vector.load %arg3[%swap3A_944, %swap3A_945, %swap3A_946] : memref<8x48x256xf32, #tpu.memory_space<vmem>>, vector<8x48x256xf32>
    tpu.vector_store %arg3[%swap3A_944, %swap3A_945, %swap3A_946], %concatenate3A {strides = array<i32>} : memref<8x48x256xf32, #tpu.memory_space<vmem>>, vector<8x48x256xf32>,
    %broadcast_in_dim3A_948 = arith.constant 0.000000e+00 : f32
    %broadcast_in_dim3A_949 = vector.broadcast %broadcast_in_dim3A_948 : f32 to vector<8x48xf32>
    %eq3A_950 = arith.constant 0 : i32
    %eq3A_951 = vector.broadcast %eq3A_950 : i32 to vector<8x48xi32>
    %eq3A_952 = arith.cmpi eq, %get3A_1, %eq3A_951 : vector<8x48xi32>
    %convert_element_type3A_953 = arith.extui %eq3A_952 : vector<8x48xi1> to vector<8x48xi32>
    %convert_element_type3A_954 = arith.sitofp %convert_element_type3A_953 : vector<8x48xi32> to vector<8x48xf32>
    %mul3A_955 = arith.constant 0.551590919 : f32
    %mul3A_956 = vector.broadcast %mul3A_955 : f32 to vector<8x48xf32>
    %mul3A_957 = arith.mulf %convert_element_type3A_954, %mul3A_956 : vector<8x48xf32>
    %add3A_958 = arith.addf %broadcast_in_dim3A_949, %mul3A_957 : vector<8x48xf32>
    %eq3A_959 = arith.constant 1 : i32
    %eq3A_960 = vector.broadcast %eq3A_959 : i32 to vector<8x48xi32>
    %eq3A_961 = arith.cmpi eq, %get3A_1, %eq3A_960 : vector<8x48xi32>
    %convert_element_type3A_962 = arith.extui %eq3A_961 : vector<8x48xi1> to vector<8x48xi32>
    %convert_element_type3A_963 = arith.sitofp %convert_element_type3A_962 : vector<8x48xi32> to vector<8x48xf32>
    %mul3A_964 = arith.constant 1.88862967 : f32
    %mul3A_965 = vector.broadcast %mul3A_964 : f32 to vector<8x48xf32>
    %mul3A_966 = arith.mulf %convert_element_type3A_963, %mul3A_965 : vector<8x48xf32>
    %add3A_967 = arith.addf %add3A_958, %mul3A_966 : vector<8x48xf32>
    %eq3A_968 = arith.constant 2 : i32
    %eq3A_969 = vector.broadcast %eq3A_968 : i32 to vector<8x48xi32>
    %eq3A_970 = arith.cmpi eq, %get3A_1, %eq3A_969 : vector<8x48xi32>
    %convert_element_type3A_971 = arith.extui %eq3A_970 : vector<8x48xi1> to vector<8x48xi32>
    %convert_element_type3A_972 = arith.sitofp %convert_element_type3A_971 : vector<8x48xi32> to vector<8x48xf32>
    %mul3A_973 = arith.constant 1.32250285 : f32
    %mul3A_974 = vector.broadcast %mul3A_973 : f32 to vector<8x48xf32>
    %mul3A_975 = arith.mulf %convert_element_type3A_972, %mul3A_974 : vector<8x48xf32>
    %add3A_976 = arith.addf %add3A_967, %mul3A_975 : vector<8x48xf32>
    %eq3A_977 = arith.constant 3 : i32
    %eq3A_978 = vector.broadcast %eq3A_977 : i32 to vector<8x48xi32>
    %eq3A_979 = arith.cmpi eq, %get3A_1, %eq3A_978 : vector<8x48xi32>
    %convert_element_type3A_980 = arith.extui %eq3A_979 : vector<8x48xi1> to vector<8x48xi32>
    %convert_element_type3A_981 = arith.sitofp %convert_element_type3A_980 : vector<8x48xi32> to vector<8x48xf32>
    %mul3A_982 = arith.constant 1.23166287 : f32
    %mul3A_983 = vector.broadcast %mul3A_982 : f32 to vector<8x48xf32>
    %mul3A_984 = arith.mulf %convert_element_type3A_981, %mul3A_983 : vector<8x48xf32>
    %add3A_985 = arith.addf %add3A_976, %mul3A_984 : vector<8x48xf32>
    %eq3A_986 = arith.constant 4 : i32
    %eq3A_987 = vector.broadcast %eq3A_986 : i32 to vector<8x48xi32>
    %eq3A_988 = arith.cmpi eq, %get3A_1, %eq3A_987 : vector<8x48xi32>
    %convert_element_type3A_989 = arith.extui %eq3A_988 : vector<8x48xi1> to vector<8x48xi32>
    %convert_element_type3A_990 = arith.sitofp %convert_element_type3A_989 : vector<8x48xi32> to vector<8x48xf32>
    %mul3A_991 = arith.constant 2.18849325 : f32
    %mul3A_992 = vector.broadcast %mul3A_991 : f32 to vector<8x48xf32>
    %mul3A_993 = arith.mulf %convert_element_type3A_990, %mul3A_992 : vector<8x48xf32>
    %add3A_994 = arith.addf %add3A_985, %mul3A_993 : vector<8x48xf32>
    %eq3A_995 = arith.constant 5 : i32
    %eq3A_996 = vector.broadcast %eq3A_995 : i32 to vector<8x48xi32>
    %eq3A_997 = arith.cmpi eq, %get3A_1, %eq3A_996 : vector<8x48xi32>
    %convert_element_type3A_998 = arith.extui %eq3A_997 : vector<8x48xi1> to vector<8x48xi32>
    %convert_element_type3A_999 = arith.sitofp %convert_element_type3A_998 : vector<8x48xi32> to vector<8x48xf32>
    %mul3A_1000 = arith.constant 1.77503717 : f32
    %mul3A_1001 = vector.broadcast %mul3A_1000 : f32 to vector<8x48xf32>
    %mul3A_1002 = arith.mulf %convert_element_type3A_999, %mul3A_1001 : vector<8x48xf32>
    %add3A_1003 = arith.addf %add3A_994, %mul3A_1002 : vector<8x48xf32>
    %eq3A_1004 = arith.constant 6 : i32
    %eq3A_1005 = vector.broadcast %eq3A_1004 : i32 to vector<8x48xi32>
    %eq3A_1006 = arith.cmpi eq, %get3A_1, %eq3A_1005 : vector<8x48xi32>
    %convert_element_type3A_1007 = arith.extui %eq3A_1006 : vector<8x48xi1> to vector<8x48xi32>
    %convert_element_type3A_1008 = arith.sitofp %convert_element_type3A_1007 : vector<8x48xi32> to vector<8x48xf32>
    %mul3A_1009 = arith.constant 1.3677907 : f32
    %mul3A_1010 = vector.broadcast %mul3A_1009 : f32 to vector<8x48xf32>
    %mul3A_1011 = arith.mulf %convert_element_type3A_1008, %mul3A_1010 : vector<8x48xf32>
    %add3A_1012 = arith.addf %add3A_1003, %mul3A_1011 : vector<8x48xf32>
    %eq3A_1013 = arith.constant 7 : i32
    %eq3A_1014 = vector.broadcast %eq3A_1013 : i32 to vector<8x48xi32>
    %eq3A_1015 = arith.cmpi eq, %get3A_1, %eq3A_1014 : vector<8x48xi32>
    %convert_element_type3A_1016 = arith.extui %eq3A_1015 : vector<8x48xi1> to vector<8x48xi32>
    %convert_element_type3A_1017 = arith.sitofp %convert_element_type3A_1016 : vector<8x48xi32> to vector<8x48xf32>
    %mul3A_1018 = arith.constant 1.38200581 : f32
    %mul3A_1019 = vector.broadcast %mul3A_1018 : f32 to vector<8x48xf32>
    %mul3A_1020 = arith.mulf %convert_element_type3A_1017, %mul3A_1019 : vector<8x48xf32>
    %add3A_1021 = arith.addf %add3A_1012, %mul3A_1020 : vector<8x48xf32>
    %mul3A_1022 = arith.constant 1.7724539 : f32
    %mul3A_1023 = vector.broadcast %mul3A_1022 : f32 to vector<8x48xf32>
    %mul3A_1024 = arith.mulf %mul3A_1023, %add3A_1021 : vector<8x48xf32>
    %div3A_1025 = arith.constant 1.000000e+00 : f32
    %div3A_1026 = vector.broadcast %div3A_1025 : f32 to vector<8x48xf32>
    %div3A_1027 = arith.divf %div3A_1026, %mul3A_1024 : vector<8x48xf32>
    %swap3A_1028 = arith.constant 0 : index
    %swap3A_1029 = arith.constant 0 : index
    %swap3A_1030 = vector.load %arg7[%swap3A_1028, %swap3A_1029] : memref<8x48xf32, #tpu.memory_space<vmem>>, vector<8x48xf32>
    tpu.vector_store %arg7[%swap3A_1028, %swap3A_1029], %div3A_1027 {strides = array<i32>} : memref<8x48xf32, #tpu.memory_space<vmem>>, vector<8x48xf32>,
    %div3A_1031 = arith.constant 0.529177248 : f32
    %div3A_1032 = vector.broadcast %div3A_1031 : f32 to vector<8x48x48xf32>
    %div3A_1033 = arith.divf %sqrt3A, %div3A_1032 : vector<8x48x48xf32>
    %broadcast_in_dim3A_1034 = vector.shape_cast %add3A_1021 : vector<8x48xf32> to vector<8x48x1xf32>
    %integer_pow3A_1035 = arith.mulf %broadcast_in_dim3A_1034, %broadcast_in_dim3A_1034 : vector<8x48x1xf32>
    %broadcast_in_dim3A_1036 = vector.shape_cast %add3A_1021 : vector<8x48xf32> to vector<8x1x48xf32>
    %integer_pow3A_1037 = arith.mulf %broadcast_in_dim3A_1036, %broadcast_in_dim3A_1036 : vector<8x1x48xf32>
    %add3A_1038 = vector.broadcast %integer_pow3A_1035 : vector<8x48x1xf32> to vector<8x48x48xf32>
    %add3A_1039 = vector.broadcast %integer_pow3A_1037 : vector<8x1x48xf32> to vector<8x48x48xf32>
    %add3A_1040 = arith.addf %add3A_1038, %add3A_1039 : vector<8x48x48xf32>
    %lt3A_1041 = arith.constant 9.99999993E-9 : f32
    %lt3A_1042 = vector.broadcast %lt3A_1041 : f32 to vector<8x48x48xf32>
    %lt3A_1043 = arith.cmpf olt, %add3A_1040, %lt3A_1042 : vector<8x48x48xf32>
    %jit3A_1044 = arith.constant 9.99999993E-9 : f32
    %broadcast_in_dim3A_1045 = vector.broadcast %jit3A_1044 : f32 to vector<8x48x48xf32>
    %select_n3A_1046 = arith.select %lt3A_1043, %broadcast_in_dim3A_1045, %add3A_1040 : vector<8x48x48xi1>, vector<8x48x48xf32>
    %mul3A_1047 = arith.constant 2.000000e+00 : f32
    %mul3A_1048 = vector.broadcast %mul3A_1047 : f32 to vector<8x48x48xf32>
    %mul3A_1049 = arith.mulf %mul3A_1048, %select_n3A_1046 : vector<8x48x48xf32>
    %sqrt3A_1050 = math.sqrt %mul3A_1049 : vector<8x48x48xf32>
    %div3A_1051 = arith.divf %div3A_1033, %sqrt3A_1050 : vector<8x48x48xf32>
    %mul3A_1052 = arith.constant 0.327591091 : f32
    %mul3A_1053 = vector.broadcast %mul3A_1052 : f32 to vector<8x48x48xf32>
    %mul3A_1054 = arith.mulf %mul3A_1053, %div3A_1051 : vector<8x48x48xf32>
    %add3A_1055 = arith.constant 1.000000e+00 : f32
    %add3A_1056 = vector.broadcast %add3A_1055 : f32 to vector<8x48x48xf32>
    %add3A_1057 = arith.addf %add3A_1056, %mul3A_1054 : vector<8x48x48xf32>
    %div3A_1058 = arith.constant 1.000000e+00 : f32
    %div3A_1059 = vector.broadcast %div3A_1058 : f32 to vector<8x48x48xf32>
    %div3A_1060 = arith.divf %div3A_1059, %add3A_1057 : vector<8x48x48xf32>
    %mul3A_1061 = arith.constant 1.06140542 : f32
    %mul3A_1062 = vector.broadcast %mul3A_1061 : f32 to vector<8x48x48xf32>
    %mul3A_1063 = arith.mulf %div3A_1060, %mul3A_1062 : vector<8x48x48xf32>
    %add3A_1064 = arith.constant -1.45315206 : f32
    %add3A_1065 = vector.broadcast %add3A_1064 : f32 to vector<8x48x48xf32>
    %add3A_1066 = arith.addf %add3A_1065, %mul3A_1063 : vector<8x48x48xf32>
    %mul3A_1067 = arith.mulf %div3A_1060, %add3A_1066 : vector<8x48x48xf32>
    %add3A_1068 = arith.constant 1.42141378 : f32
    %add3A_1069 = vector.broadcast %add3A_1068 : f32 to vector<8x48x48xf32>
    %add3A_1070 = arith.addf %add3A_1069, %mul3A_1067 : vector<8x48x48xf32>
    %mul3A_1071 = arith.mulf %div3A_1060, %add3A_1070 : vector<8x48x48xf32>
    %add3A_1072 = arith.constant -0.284496725 : f32
    %add3A_1073 = vector.broadcast %add3A_1072 : f32 to vector<8x48x48xf32>
    %add3A_1074 = arith.addf %add3A_1073, %mul3A_1071 : vector<8x48x48xf32>
    %mul3A_1075 = arith.mulf %div3A_1060, %add3A_1074 : vector<8x48x48xf32>
    %add3A_1076 = arith.constant 0.254829586 : f32
    %add3A_1077 = vector.broadcast %add3A_1076 : f32 to vector<8x48x48xf32>
    %add3A_1078 = arith.addf %add3A_1077, %mul3A_1075 : vector<8x48x48xf32>
    %mul3A_1079 = arith.mulf %div3A_1060, %add3A_1078 : vector<8x48x48xf32>
    %neg3A_1080 = arith.constant 0.000000e+00 : f32
    %neg3A_1081 = vector.broadcast %neg3A_1080 : f32 to vector<8x48x48xf32>
    %neg3A_1082 = arith.subf %neg3A_1081, %div3A_1051 : vector<8x48x48xf32>
    %mul3A_1083 = arith.mulf %neg3A_1082, %div3A_1051 : vector<8x48x48xf32>
    %exp3A_1084 = math.exp %mul3A_1083 : vector<8x48x48xf32>
    %mul3A_1085 = arith.mulf %mul3A_1079, %exp3A_1084 : vector<8x48x48xf32>
    %sub3A_1086 = arith.constant 1.000000e+00 : f32
    %sub3A_1087 = vector.broadcast %sub3A_1086 : f32 to vector<8x48x48xf32>
    %sub3A_1088 = arith.subf %sub3A_1087, %mul3A_1085 : vector<8x48x48xf32>
    %div3A_1089 = arith.divf %sub3A_1088, %div3A_1033 : vector<8x48x48xf32>
    %broadcast_in_dim3A_1090 = vector.shape_cast %convert_element_type3A_51 : vector<48x48xf32> to vector<1x48x48xf32>
    %mul3A_1091 = vector.broadcast %broadcast_in_dim3A_1090 : vector<1x48x48xf32> to vector<8x48x48xf32>
    %mul3A_1092 = arith.mulf %div3A_1089, %mul3A_1091 : vector<8x48x48xf32>
    %swap3A_1093 = arith.constant 0 : index
    %swap3A_1094 = arith.constant 0 : index
    %swap3A_1095 = arith.constant 0 : index
    %swap3A_1096 = vector.load %arg4[%swap3A_1093, %swap3A_1094, %swap3A_1095] : memref<8x48x48xf32, #tpu.memory_space<vmem>>, vector<8x48x48xf32>
    tpu.vector_store %arg4[%swap3A_1093, %swap3A_1094, %swap3A_1095], %mul3A_1092 {strides = array<i32>} : memref<8x48x48xf32, #tpu.memory_space<vmem>>, vector<8x48x48xf32>,
    %neg3A_1097 = arith.constant 0.000000e+00 : f32
    %neg3A_1098 = vector.broadcast %neg3A_1097 : f32 to vector<8x48x48xf32>
    %neg3A_1099 = arith.subf %neg3A_1098, %div3A_1033 : vector<8x48x48xf32>
    %add3A_1100 = arith.constant 2.200000e+00 : f32
    %add3A_1101 = vector.broadcast %add3A_1100 : f32 to vector<8x48x48xf32>
    %add3A_1102 = arith.addf %neg3A_1099, %add3A_1101 : vector<8x48x48xf32>
    %mul3A_1103 = arith.constant 8.500000e+00 : f32
    %mul3A_1104 = vector.broadcast %mul3A_1103 : f32 to vector<8x48x48xf32>
    %mul3A_1105 = arith.mulf %add3A_1102, %mul3A_1104 : vector<8x48x48xf32>
    %exp3A_1106 = math.exp %mul3A_1105 : vector<8x48x48xf32>
    %add3A_1107 = arith.constant 1.000000e+00 : f32
    %add3A_1108 = vector.broadcast %add3A_1107 : f32 to vector<8x48x48xf32>
    %add3A_1109 = arith.addf %add3A_1108, %exp3A_1106 : vector<8x48x48xf32>
    %div3A_1110 = arith.constant 1.000000e+00 : f32
    %div3A_1111 = vector.broadcast %div3A_1110 : f32 to vector<8x48x48xf32>
    %div3A_1112 = arith.divf %div3A_1111, %add3A_1109 : vector<8x48x48xf32>
    %div3A_1113 = arith.divf %div3A_1112, %div3A_1033 : vector<8x48x48xf32>
    %broadcast_in_dim3A_1114 = vector.shape_cast %convert_element_type3A_51 : vector<48x48xf32> to vector<1x48x48xf32>
    %mul3A_1115 = vector.broadcast %broadcast_in_dim3A_1114 : vector<1x48x48xf32> to vector<8x48x48xf32>
    %mul3A_1116 = arith.mulf %div3A_1113, %mul3A_1115 : vector<8x48x48xf32>
    %swap3A_1117 = arith.constant 0 : index
    %swap3A_1118 = arith.constant 0 : index
    %swap3A_1119 = arith.constant 0 : index
    %swap3A_1120 = vector.load %arg6[%swap3A_1117, %swap3A_1118, %swap3A_1119] : memref<8x48x48xf32, #tpu.memory_space<vmem>>, vector<8x48x48xf32>
    tpu.vector_store %arg6[%swap3A_1117, %swap3A_1118, %swap3A_1119], %mul3A_1116 {strides = array<i32>} : memref<8x48x48xf32, #tpu.memory_space<vmem>>, vector<8x48x48xf32>,
    return
  }
  func.func @transform_0(%arg0: i32) -> (i32, i32) {
    %c0_i32 = arith.constant 0 : i32
    %c0_i32_0 = arith.constant 0 : i32
    return %arg0, %c0_i32 : i32, i32
  }
  func.func @transform_1(%arg0: i32) -> (i32, i32, i32) {
    %c0_i32 = arith.constant 0 : i32
    %c0_i32_0 = arith.constant 0 : i32
    %c0_i32_1 = arith.constant 0 : i32
    return %arg0, %c0_i32, %c0_i32_0 : i32, i32, i32
  }
  func.func @transform_2(%arg0: i32) -> (i32, i32, i32) {
    %c0_i32 = arith.constant 0 : i32
    %c0_i32_0 = arith.constant 0 : i32
    %c0_i32_1 = arith.constant 0 : i32
    return %arg0, %c0_i32, %c0_i32_0 : i32, i32, i32
  }
  func.func @transform_3(%arg0: i32) -> (i32, i32, i32) {
    %c0_i32 = arith.constant 0 : i32
    %c0_i32_0 = arith.constant 0 : i32
    %c0_i32_1 = arith.constant 0 : i32
    return %arg0, %c0_i32, %c0_i32_0 : i32, i32, i32
  }
  func.func @transform_4(%arg0: i32) -> (i32, i32, i32, i32) {
    %c0_i32 = arith.constant 0 : i32
    %c0_i32_0 = arith.constant 0 : i32
    %c0_i32_1 = arith.constant 0 : i32
    %c0_i32_2 = arith.constant 0 : i32
    return %arg0, %c0_i32, %c0_i32_0, %c0_i32_1 : i32, i32, i32, i32
  }
  func.func @transform_5(%arg0: i32) -> (i32, i32, i32) {
    %c0_i32 = arith.constant 0 : i32
    %c0_i32_0 = arith.constant 0 : i32
    %c0_i32_1 = arith.constant 0 : i32
    return %arg0, %c0_i32, %c0_i32_0 : i32, i32, i32
  }
  func.func @transform_6(%arg0: i32) -> (i32, i32) {
    %c0_i32 = arith.constant 0 : i32
    %c0_i32_0 = arith.constant 0 : i32
    return %arg0, %c0_i32 : i32, i32
  }
}

module attributes {stable_mosaic.version = 14 : i64} {
  func.func @_mlp_body_first(%arg0: i32, %arg1: memref<32xi32, #tpu.memory_space<smem>>, %arg2: memref<128x256xf32, #tpu.memory_space<vmem>>, %arg3: memref<1x322x256xf32, #tpu.memory_space<vmem>>, %arg4: memref<1x1x256xf32, #tpu.memory_space<vmem>>, %arg5: memref<1x256x192xf32, #tpu.memory_space<vmem>>, %arg6: memref<1x1x192xf32, #tpu.memory_space<vmem>>, %arg7: memref<1x192x160xf32, #tpu.memory_space<vmem>>, %arg8: memref<1x1x160xf32, #tpu.memory_space<vmem>>, %arg9: memref<1x160x1xf32, #tpu.memory_space<vmem>>, %arg10: memref<1x1x1xf32, #tpu.memory_space<vmem>>, %arg11: memref<128x1xf32, #tpu.memory_space<vmem>>) attributes {dimension_semantics = [#tpu.dimension_semantics<arbitrary>], iteration_bounds = array<i64: 32>, scalar_prefetch = 1 : i64, scratch_operands = 0 : i64, tpu.core_type = #tpu.core_type<tc>, window_params = [{transform_indices = @transform_0, window_bounds = array<i64: 128, 256>}, {transform_indices = @transform_1, window_bounds = array<i64: 1, 322, 256>}, {transform_indices = @transform_2, window_bounds = array<i64: 1, 1, 256>}, {transform_indices = @transform_3, window_bounds = array<i64: 1, 256, 192>}, {transform_indices = @transform_4, window_bounds = array<i64: 1, 1, 192>}, {transform_indices = @transform_5, window_bounds = array<i64: 1, 192, 160>}, {transform_indices = @transform_6, window_bounds = array<i64: 1, 1, 160>}, {transform_indices = @transform_7, window_bounds = array<i64: 1, 160, 1>}, {transform_indices = @transform_8, window_bounds = array<i64: 1, 1, 1>}, {transform_indices = @transform_9, window_bounds = array<i64: 128, 1>}]} {
    %get3A = arith.constant 0 : index
    %get3A_0 = arith.constant 0 : index
    %get3A_1 = arith.constant 0 : index
    %get3A_2 = vector.load %arg3[%get3A, %get3A_0, %get3A_1] : memref<1x322x256xf32, #tpu.memory_space<vmem>>, vector<1x322x256xf32>
    %get3A_3 = vector.shape_cast %get3A_2 : vector<1x322x256xf32> to vector<322x256xf32>
    %get3A_4 = arith.constant 0 : index
    %get3A_5 = arith.constant 0 : index
    %get3A_6 = vector.load %arg2[%get3A_4, %get3A_5] : memref<128x256xf32, #tpu.memory_space<vmem>>, vector<128x256xf32>
    %slice3A = vector.extract_strided_slice %get3A_3 {offsets = [0, 0], sizes = [256, 256], strides = [1, 1]} : vector<322x256xf32> to vector<256x256xf32>
    %dot_general3A = arith.constant dense<0.000000e+00> : vector<128x256xf32>
    %dot_general3A_7 = tpu.matmul %get3A_6, %slice3A, %dot_general3A {dimension_numbers = #tpu.dot_dimension_numbers<[1], [0], [0], [1], [0, 0, 1, 1], [], []>, transpose_lhs_hint = false} : vector<128x256xf32>, vector<256x256xf32>, vector<128x256xf32> -> vector<128x256xf32>
    %get3A_8 = arith.constant 0 : index
    %get3A_9 = arith.constant 0 : index
    %get3A_10 = arith.constant 0 : index
    %get3A_11 = vector.load %arg4[%get3A_8, %get3A_9, %get3A_10] : memref<1x1x256xf32, #tpu.memory_space<vmem>>, vector<1x1x256xf32>
    %get3A_12 = vector.shape_cast %get3A_11 : vector<1x1x256xf32> to vector<1x256xf32>
    %add3A = vector.broadcast %get3A_12 : vector<1x256xf32> to vector<128x256xf32>
    %add3A_13 = arith.addf %dot_general3A_7, %add3A : vector<128x256xf32>
    %gt3A = arith.constant 0.000000e+00 : f32
    %gt3A_14 = vector.broadcast %gt3A : f32 to vector<128x256xf32>
    %gt3A_15 = arith.cmpf ogt, %add3A_13, %gt3A_14 : vector<128x256xf32>
    %div3A = arith.constant 1.000000e-01 : f32
    %div3A_16 = vector.broadcast %div3A : f32 to vector<128x256xf32>
    %div3A_17 = arith.divf %add3A_13, %div3A_16 : vector<128x256xf32>
    %exp3A = math.exp %div3A_17 : vector<128x256xf32>
    %sub3A = arith.constant 1.000000e+00 : f32
    %sub3A_18 = vector.broadcast %sub3A : f32 to vector<128x256xf32>
    %sub3A_19 = arith.subf %exp3A, %sub3A_18 : vector<128x256xf32>
    %mul3A = arith.constant 1.000000e-01 : f32
    %mul3A_20 = vector.broadcast %mul3A : f32 to vector<128x256xf32>
    %mul3A_21 = arith.mulf %mul3A_20, %sub3A_19 : vector<128x256xf32>
    %select_n3A = arith.select %gt3A_15, %add3A_13, %mul3A_21 : vector<128x256xi1>, vector<128x256xf32>
    %get3A_22 = arith.constant 0 : index
    %get3A_23 = arith.constant 0 : index
    %get3A_24 = arith.constant 0 : index
    %get3A_25 = vector.load %arg5[%get3A_22, %get3A_23, %get3A_24] : memref<1x256x192xf32, #tpu.memory_space<vmem>>, vector<1x256x192xf32>
    %get3A_26 = vector.shape_cast %get3A_25 : vector<1x256x192xf32> to vector<256x192xf32>
    %dot_general3A_27 = arith.constant dense<0.000000e+00> : vector<128x192xf32>
    %dot_general3A_28 = tpu.matmul %select_n3A, %get3A_26, %dot_general3A_27 {dimension_numbers = #tpu.dot_dimension_numbers<[1], [0], [0], [1], [0, 0, 1, 1], [], []>, transpose_lhs_hint = false} : vector<128x256xf32>, vector<256x192xf32>, vector<128x192xf32> -> vector<128x192xf32>
    %get3A_29 = arith.constant 0 : index
    %get3A_30 = arith.constant 0 : index
    %get3A_31 = arith.constant 0 : index
    %get3A_32 = vector.load %arg6[%get3A_29, %get3A_30, %get3A_31] : memref<1x1x192xf32, #tpu.memory_space<vmem>>, vector<1x1x192xf32>
    %get3A_33 = vector.shape_cast %get3A_32 : vector<1x1x192xf32> to vector<1x192xf32>
    %add3A_34 = vector.broadcast %get3A_33 : vector<1x192xf32> to vector<128x192xf32>
    %add3A_35 = arith.addf %dot_general3A_28, %add3A_34 : vector<128x192xf32>
    %gt3A_36 = arith.constant 0.000000e+00 : f32
    %gt3A_37 = vector.broadcast %gt3A_36 : f32 to vector<128x192xf32>
    %gt3A_38 = arith.cmpf ogt, %add3A_35, %gt3A_37 : vector<128x192xf32>
    %div3A_39 = arith.constant 1.000000e-01 : f32
    %div3A_40 = vector.broadcast %div3A_39 : f32 to vector<128x192xf32>
    %div3A_41 = arith.divf %add3A_35, %div3A_40 : vector<128x192xf32>
    %exp3A_42 = math.exp %div3A_41 : vector<128x192xf32>
    %sub3A_43 = arith.constant 1.000000e+00 : f32
    %sub3A_44 = vector.broadcast %sub3A_43 : f32 to vector<128x192xf32>
    %sub3A_45 = arith.subf %exp3A_42, %sub3A_44 : vector<128x192xf32>
    %mul3A_46 = arith.constant 1.000000e-01 : f32
    %mul3A_47 = vector.broadcast %mul3A_46 : f32 to vector<128x192xf32>
    %mul3A_48 = arith.mulf %mul3A_47, %sub3A_45 : vector<128x192xf32>
    %select_n3A_49 = arith.select %gt3A_38, %add3A_35, %mul3A_48 : vector<128x192xi1>, vector<128x192xf32>
    %get3A_50 = arith.constant 0 : index
    %get3A_51 = arith.constant 0 : index
    %get3A_52 = arith.constant 0 : index
    %get3A_53 = vector.load %arg7[%get3A_50, %get3A_51, %get3A_52] : memref<1x192x160xf32, #tpu.memory_space<vmem>>, vector<1x192x160xf32>
    %get3A_54 = vector.shape_cast %get3A_53 : vector<1x192x160xf32> to vector<192x160xf32>
    %dot_general3A_55 = arith.constant dense<0.000000e+00> : vector<128x160xf32>
    %dot_general3A_56 = tpu.matmul %select_n3A_49, %get3A_54, %dot_general3A_55 {dimension_numbers = #tpu.dot_dimension_numbers<[1], [0], [0], [1], [0, 0, 1, 1], [], []>, transpose_lhs_hint = false} : vector<128x192xf32>, vector<192x160xf32>, vector<128x160xf32> -> vector<128x160xf32>
    %get3A_57 = arith.constant 0 : index
    %get3A_58 = arith.constant 0 : index
    %get3A_59 = arith.constant 0 : index
    %get3A_60 = vector.load %arg8[%get3A_57, %get3A_58, %get3A_59] : memref<1x1x160xf32, #tpu.memory_space<vmem>>, vector<1x1x160xf32>
    %get3A_61 = vector.shape_cast %get3A_60 : vector<1x1x160xf32> to vector<1x160xf32>
    %add3A_62 = vector.broadcast %get3A_61 : vector<1x160xf32> to vector<128x160xf32>
    %add3A_63 = arith.addf %dot_general3A_56, %add3A_62 : vector<128x160xf32>
    %gt3A_64 = arith.constant 0.000000e+00 : f32
    %gt3A_65 = vector.broadcast %gt3A_64 : f32 to vector<128x160xf32>
    %gt3A_66 = arith.cmpf ogt, %add3A_63, %gt3A_65 : vector<128x160xf32>
    %div3A_67 = arith.constant 1.000000e-01 : f32
    %div3A_68 = vector.broadcast %div3A_67 : f32 to vector<128x160xf32>
    %div3A_69 = arith.divf %add3A_63, %div3A_68 : vector<128x160xf32>
    %exp3A_70 = math.exp %div3A_69 : vector<128x160xf32>
    %sub3A_71 = arith.constant 1.000000e+00 : f32
    %sub3A_72 = vector.broadcast %sub3A_71 : f32 to vector<128x160xf32>
    %sub3A_73 = arith.subf %exp3A_70, %sub3A_72 : vector<128x160xf32>
    %mul3A_74 = arith.constant 1.000000e-01 : f32
    %mul3A_75 = vector.broadcast %mul3A_74 : f32 to vector<128x160xf32>
    %mul3A_76 = arith.mulf %mul3A_75, %sub3A_73 : vector<128x160xf32>
    %select_n3A_77 = arith.select %gt3A_66, %add3A_63, %mul3A_76 : vector<128x160xi1>, vector<128x160xf32>
    %get3A_78 = arith.constant 0 : index
    %get3A_79 = arith.constant 0 : index
    %get3A_80 = arith.constant 0 : index
    %get3A_81 = vector.load %arg9[%get3A_78, %get3A_79, %get3A_80] : memref<1x160x1xf32, #tpu.memory_space<vmem>>, vector<1x160x1xf32>
    %get3A_82 = vector.shape_cast %get3A_81 : vector<1x160x1xf32> to vector<160x1xf32>
    %dot_general3A_83 = arith.constant dense<0.000000e+00> : vector<128x1xf32>
    %dot_general3A_84 = tpu.matmul %select_n3A_77, %get3A_82, %dot_general3A_83 {dimension_numbers = #tpu.dot_dimension_numbers<[1], [0], [0], [1], [0, 0, 1, 1], [], []>, transpose_lhs_hint = false} : vector<128x160xf32>, vector<160x1xf32>, vector<128x1xf32> -> vector<128x1xf32>
    %get3A_85 = arith.constant 0 : index
    %get3A_86 = arith.constant 0 : index
    %get3A_87 = arith.constant 0 : index
    %get3A_88 = vector.load %arg10[%get3A_85, %get3A_86, %get3A_87] : memref<1x1x1xf32, #tpu.memory_space<vmem>>, vector<1x1x1xf32>
    %get3A_89 = vector.shape_cast %get3A_88 : vector<1x1x1xf32> to vector<1x1xf32>
    %add3A_90 = vector.broadcast %get3A_89 : vector<1x1xf32> to vector<128x1xf32>
    %add3A_91 = arith.addf %dot_general3A_84, %add3A_90 : vector<128x1xf32>
    %swap3A = arith.constant 0 : index
    %swap3A_92 = arith.constant 0 : index
    %swap3A_93 = vector.load %arg11[%swap3A, %swap3A_92] : memref<128x1xf32, #tpu.memory_space<vmem>>, vector<128x1xf32>
    tpu.vector_store %arg11[%swap3A, %swap3A_92], %add3A_91 {strides = array<i32>} : memref<128x1xf32, #tpu.memory_space<vmem>>, vector<128x1xf32>,
    return
  }
  func.func @transform_0(%arg0: i32, %arg1: memref<32xi32, #tpu.memory_space<smem>>) -> (i32, i32) {
    %c0_i32 = arith.constant 0 : i32
    %c0_i32_0 = arith.constant 0 : i32
    return %arg0, %c0_i32 : i32, i32
  }
  func.func @transform_1(%arg0: i32, %arg1: memref<32xi32, #tpu.memory_space<smem>>) -> (i32, i32, i32) {
    %get3A = arith.index_cast %arg0 : i32 to index
    %get3A_0 = memref.load %arg1[%get3A] : memref<32xi32, #tpu.memory_space<smem>>
    %c0_i32 = arith.constant 0 : i32
    %c0_i32_1 = arith.constant 0 : i32
    %c0_i32_2 = arith.constant 0 : i32
    return %get3A_0, %c0_i32, %c0_i32_1 : i32, i32, i32
  }
  func.func @transform_2(%arg0: i32, %arg1: memref<32xi32, #tpu.memory_space<smem>>) -> (i32, i32, i32) {
    %get3A = arith.index_cast %arg0 : i32 to index
    %get3A_0 = memref.load %arg1[%get3A] : memref<32xi32, #tpu.memory_space<smem>>
    %c0_i32 = arith.constant 0 : i32
    %c0_i32_1 = arith.constant 0 : i32
    %c0_i32_2 = arith.constant 0 : i32
    return %get3A_0, %c0_i32, %c0_i32_1 : i32, i32, i32
  }
  func.func @transform_3(%arg0: i32, %arg1: memref<32xi32, #tpu.memory_space<smem>>) -> (i32, i32, i32) {
    %get3A = arith.index_cast %arg0 : i32 to index
    %get3A_0 = memref.load %arg1[%get3A] : memref<32xi32, #tpu.memory_space<smem>>
    %c0_i32 = arith.constant 0 : i32
    %c0_i32_1 = arith.constant 0 : i32
    %c0_i32_2 = arith.constant 0 : i32
    return %get3A_0, %c0_i32, %c0_i32_1 : i32, i32, i32
  }
  func.func @transform_4(%arg0: i32, %arg1: memref<32xi32, #tpu.memory_space<smem>>) -> (i32, i32, i32) {
    %get3A = arith.index_cast %arg0 : i32 to index
    %get3A_0 = memref.load %arg1[%get3A] : memref<32xi32, #tpu.memory_space<smem>>
    %c0_i32 = arith.constant 0 : i32
    %c0_i32_1 = arith.constant 0 : i32
    %c0_i32_2 = arith.constant 0 : i32
    return %get3A_0, %c0_i32, %c0_i32_1 : i32, i32, i32
  }
  func.func @transform_5(%arg0: i32, %arg1: memref<32xi32, #tpu.memory_space<smem>>) -> (i32, i32, i32) {
    %get3A = arith.index_cast %arg0 : i32 to index
    %get3A_0 = memref.load %arg1[%get3A] : memref<32xi32, #tpu.memory_space<smem>>
    %c0_i32 = arith.constant 0 : i32
    %c0_i32_1 = arith.constant 0 : i32
    %c0_i32_2 = arith.constant 0 : i32
    return %get3A_0, %c0_i32, %c0_i32_1 : i32, i32, i32
  }
  func.func @transform_6(%arg0: i32, %arg1: memref<32xi32, #tpu.memory_space<smem>>) -> (i32, i32, i32) {
    %get3A = arith.index_cast %arg0 : i32 to index
    %get3A_0 = memref.load %arg1[%get3A] : memref<32xi32, #tpu.memory_space<smem>>
    %c0_i32 = arith.constant 0 : i32
    %c0_i32_1 = arith.constant 0 : i32
    %c0_i32_2 = arith.constant 0 : i32
    return %get3A_0, %c0_i32, %c0_i32_1 : i32, i32, i32
  }
  func.func @transform_7(%arg0: i32, %arg1: memref<32xi32, #tpu.memory_space<smem>>) -> (i32, i32, i32) {
    %get3A = arith.index_cast %arg0 : i32 to index
    %get3A_0 = memref.load %arg1[%get3A] : memref<32xi32, #tpu.memory_space<smem>>
    %c0_i32 = arith.constant 0 : i32
    %c0_i32_1 = arith.constant 0 : i32
    %c0_i32_2 = arith.constant 0 : i32
    return %get3A_0, %c0_i32, %c0_i32_1 : i32, i32, i32
  }
  func.func @transform_8(%arg0: i32, %arg1: memref<32xi32, #tpu.memory_space<smem>>) -> (i32, i32, i32) {
    %get3A = arith.index_cast %arg0 : i32 to index
    %get3A_0 = memref.load %arg1[%get3A] : memref<32xi32, #tpu.memory_space<smem>>
    %c0_i32 = arith.constant 0 : i32
    %c0_i32_1 = arith.constant 0 : i32
    %c0_i32_2 = arith.constant 0 : i32
    return %get3A_0, %c0_i32, %c0_i32_1 : i32, i32, i32
  }
  func.func @transform_9(%arg0: i32, %arg1: memref<32xi32, #tpu.memory_space<smem>>) -> (i32, i32) {
    %c0_i32 = arith.constant 0 : i32
    %c0_i32_0 = arith.constant 0 : i32
    return %arg0, %c0_i32 : i32, i32
  }
}

module attributes {stable_mosaic.version = 14 : i64} {
  func.func @_update_body(%arg0: i32, %arg1: memref<32x128xf32, #tpu.memory_space<vmem>>, %arg2: memref<8x48xi32, #tpu.memory_space<vmem>>, %arg3: memref<8x48x48xf32, #tpu.memory_space<vmem>>, %arg4: memref<8x48x48x64xf32, #tpu.memory_space<vmem>>, %arg5: memref<8x48xf32, #tpu.memory_space<vmem>>, %arg6: memref<8x1xf32, #tpu.memory_space<vmem>>, %arg7: memref<8x48xf32, #tpu.memory_space<vmem>>, %arg8: memref<8x48x66xf32, #tpu.memory_space<vmem>>) attributes {dimension_semantics = [#tpu.dimension_semantics<arbitrary>], iteration_bounds = array<i64: 8>, scalar_prefetch = 0 : i64, scratch_operands = 0 : i64, tpu.core_type = #tpu.core_type<tc>, window_params = [{pipeline_mode = #tpu.pipeline_mode<synchronous>, transform_indices = @transform_0, window_bounds = array<i64: 32, 128>}, {transform_indices = @transform_1, window_bounds = array<i64: 8, 48>}, {transform_indices = @transform_2, window_bounds = array<i64: 8, 48, 48>}, {transform_indices = @transform_3, window_bounds = array<i64: 8, 48, 48, 64>}, {transform_indices = @transform_4, window_bounds = array<i64: 8, 48>}, {transform_indices = @transform_5, window_bounds = array<i64: 8, 1>}, {transform_indices = @transform_6, window_bounds = array<i64: 8, 48>}, {transform_indices = @transform_7, window_bounds = array<i64: 8, 48, 66>}]} {
    %get3A = arith.constant 0 : index
    %get3A_0 = arith.constant 0 : index
    %get3A_1 = vector.load %arg2[%get3A, %get3A_0] : memref<8x48xi32, #tpu.memory_space<vmem>>, vector<8x48xi32>
    %get3A_2 = arith.constant 0 : index
    %get3A_3 = arith.constant 0 : index
    %get3A_4 = vector.load %arg1[%get3A_2, %get3A_3] : memref<32x128xf32, #tpu.memory_space<vmem>>, vector<32x128xf32>
    %jit3A = arith.constant 128 : i32
    %div3A = vector.broadcast %jit3A : i32 to vector<8x48xi32>
    %div3A_5 = arith.divsi %get3A_1, %div3A : vector<8x48xi32>
    %sign3A = arith.constant 0 : i32
    %sign3A_6 = vector.broadcast %sign3A : i32 to vector<8x48xi32>
    %sign3A_7 = arith.cmpi sgt, %get3A_1, %sign3A_6 : vector<8x48xi32>
    %sign3A_8 = arith.extui %sign3A_7 : vector<8x48xi1> to vector<8x48xi32>
    %sign3A_9 = arith.constant 0 : i32
    %sign3A_10 = vector.broadcast %sign3A_9 : i32 to vector<8x48xi32>
    %sign3A_11 = arith.cmpi slt, %get3A_1, %sign3A_10 : vector<8x48xi32>
    %sign3A_12 = arith.extui %sign3A_11 : vector<8x48xi1> to vector<8x48xi32>
    %sign3A_13 = arith.subi %sign3A_8, %sign3A_12 : vector<8x48xi32>
    %sign3A_14 = arith.constant 0 : i32
    %sign3A_15 = arith.cmpi sgt, %jit3A, %sign3A_14 : i32
    %sign3A_16 = arith.extui %sign3A_15 : i1 to i32
    %sign3A_17 = arith.constant 0 : i32
    %sign3A_18 = arith.cmpi slt, %jit3A, %sign3A_17 : i32
    %sign3A_19 = arith.extui %sign3A_18 : i1 to i32
    %sign3A_20 = arith.subi %sign3A_16, %sign3A_19 : i32
    %ne3A = vector.broadcast %sign3A_20 : i32 to vector<8x48xi32>
    %ne3A_21 = arith.cmpi ne, %sign3A_13, %ne3A : vector<8x48xi32>
    %rem3A = vector.broadcast %jit3A : i32 to vector<8x48xi32>
    %rem3A_22 = arith.remsi %get3A_1, %rem3A : vector<8x48xi32>
    %ne3A_23 = arith.constant 0 : i32
    %ne3A_24 = vector.broadcast %ne3A_23 : i32 to vector<8x48xi32>
    %ne3A_25 = arith.cmpi ne, %rem3A_22, %ne3A_24 : vector<8x48xi32>
    %and3A = arith.andi %ne3A_21, %ne3A_25 : vector<8x48xi1>
    %sub3A = arith.constant 1 : i32
    %sub3A_26 = vector.broadcast %sub3A : i32 to vector<8x48xi32>
    %sub3A_27 = arith.subi %div3A_5, %sub3A_26 : vector<8x48xi32>
    %select_n3A = arith.select %and3A, %sub3A_27, %div3A_5 : vector<8x48xi1>, vector<8x48xi32>
    %jit3A_28 = arith.constant 128 : i32
    %eq3A = arith.constant 0 : i32
    %eq3A_29 = arith.cmpi eq, %jit3A_28, %eq3A : i32
    %jit3A_30 = arith.constant 1 : i32
    %select_n3A_31 = arith.select %eq3A_29, %jit3A_30, %jit3A_28 : i32
    %rem3A_32 = vector.broadcast %select_n3A_31 : i32 to vector<8x48xi32>
    %rem3A_33 = arith.remsi %get3A_1, %rem3A_32 : vector<8x48xi32>
    %ne3A_34 = arith.constant 0 : i32
    %ne3A_35 = vector.broadcast %ne3A_34 : i32 to vector<8x48xi32>
    %ne3A_36 = arith.cmpi ne, %rem3A_33, %ne3A_35 : vector<8x48xi32>
    %lt3A = arith.constant 0 : i32
    %lt3A_37 = vector.broadcast %lt3A : i32 to vector<8x48xi32>
    %lt3A_38 = arith.cmpi slt, %rem3A_33, %lt3A_37 : vector<8x48xi32>
    %lt3A_39 = arith.constant 0 : i32
    %lt3A_40 = arith.cmpi slt, %select_n3A_31, %lt3A_39 : i32
    %ne3A_41 = vector.broadcast %lt3A_40 : i1 to vector<8x48xi1>
    %ne3A_42 = vector.broadcast %ne3A_41 : vector<8x48xi1> to vector<8x48xi1>
    %ne3A_43 = arith.xori %lt3A_38, %ne3A_42 : vector<8x48xi1>
    %and3A_44 = arith.andi %ne3A_43, %ne3A_36 : vector<8x48xi1>
    %add3A = vector.broadcast %select_n3A_31 : i32 to vector<8x48xi32>
    %add3A_45 = arith.addi %rem3A_33, %add3A : vector<8x48xi32>
    %select_n3A_46 = arith.select %and3A_44, %add3A_45, %rem3A_33 : vector<8x48xi1>, vector<8x48xi32>
    %broadcast_in_dim3A = vector.shape_cast %select_n3A : vector<8x48xi32> to vector<8x48x1xi32>
    %iota3A = tpu.iota {dimensions = array<i32: 2>} : vector<8x48x32xi32>
    %eq3A_47 = vector.broadcast %broadcast_in_dim3A : vector<8x48x1xi32> to vector<8x48x32xi32>
    %eq3A_48 = arith.cmpi eq, %eq3A_47, %iota3A : vector<8x48x32xi32>
    %convert_element_type3A = arith.extui %eq3A_48 : vector<8x48x32xi1> to vector<8x48x32xi32>
    %convert_element_type3A_49 = arith.sitofp %convert_element_type3A : vector<8x48x32xi32> to vector<8x48x32xf32>
    %dot_general3A = arith.constant dense<0.000000e+00> : vector<8x48x128xf32>
    %dot_general3A_50 = tpu.matmul %convert_element_type3A_49, %get3A_4, %dot_general3A {dimension_numbers = #tpu.dot_dimension_numbers<[2], [0], [0, 1], [1], [0, 0, 0, 1, 1, 1], [], []>, transpose_lhs_hint = false} : vector<8x48x32xf32>, vector<32x128xf32>, vector<8x48x128xf32> -> vector<8x48x128xf32>
    %broadcast_in_dim3A_51 = vector.shape_cast %select_n3A_46 : vector<8x48xi32> to vector<8x48x1xi32>
    %iota3A_52 = tpu.iota {dimensions = array<i32: 2>} : vector<8x48x128xi32>
    %eq3A_53 = vector.broadcast %broadcast_in_dim3A_51 : vector<8x48x1xi32> to vector<8x48x128xi32>
    %eq3A_54 = arith.cmpi eq, %eq3A_53, %iota3A_52 : vector<8x48x128xi32>
    %convert_element_type3A_55 = arith.extui %eq3A_54 : vector<8x48x128xi1> to vector<8x48x128xi32>
    %convert_element_type3A_56 = arith.sitofp %convert_element_type3A_55 : vector<8x48x128xi32> to vector<8x48x128xf32>
    %mul3A = arith.mulf %convert_element_type3A_56, %dot_general3A_50 : vector<8x48x128xf32>
    %reduce_sum3A = arith.constant dense<0.000000e+00> : vector<8x48xf32>
    %reduce_sum3A_57 = vector.multi_reduction <add>, %mul3A, %reduce_sum3A [2] : vector<8x48x128xf32> to vector<8x48xf32>
    %get3A_58 = arith.constant 0 : index
    %get3A_59 = arith.constant 0 : index
    %get3A_60 = vector.load %arg5[%get3A_58, %get3A_59] : memref<8x48xf32, #tpu.memory_space<vmem>>, vector<8x48xf32>
    %div3A_61 = arith.constant 1.000000e+00 : f32
    %div3A_62 = vector.broadcast %div3A_61 : f32 to vector<8x48xf32>
    %div3A_63 = arith.divf %div3A_62, %get3A_60 : vector<8x48xf32>
    %mul3A_64 = arith.mulf %reduce_sum3A_57, %div3A_63 : vector<8x48xf32>
    %reduce_sum3A_65 = arith.constant dense<0.000000e+00> : vector<8xf32>
    %reduce_sum3A_66 = vector.multi_reduction <add>, %mul3A_64, %reduce_sum3A_65 [1] : vector<8x48xf32> to vector<8xf32>
    %broadcast_in_dim3A_67 = vector.shape_cast %reduce_sum3A_66 : vector<8xf32> to vector<8x1xf32>
    %reduce_sum3A_68 = arith.constant dense<0.000000e+00> : vector<8xf32>
    %reduce_sum3A_69 = vector.multi_reduction <add>, %div3A_63, %reduce_sum3A_68 [1] : vector<8x48xf32> to vector<8xf32>
    %broadcast_in_dim3A_70 = vector.shape_cast %reduce_sum3A_69 : vector<8xf32> to vector<8x1xf32>
    %get3A_71 = arith.constant 0 : index
    %get3A_72 = arith.constant 0 : index
    %get3A_73 = vector.load %arg6[%get3A_71, %get3A_72] : memref<8x1xf32, #tpu.memory_space<vmem>>, vector<8x1xf32>
    %add3A_74 = arith.addf %get3A_73, %broadcast_in_dim3A_67 : vector<8x1xf32>
    %div3A_75 = arith.divf %add3A_74, %broadcast_in_dim3A_70 : vector<8x1xf32>
    %neg3A = arith.constant 0.000000e+00 : f32
    %neg3A_76 = vector.broadcast %neg3A : f32 to vector<8x48xf32>
    %neg3A_77 = arith.subf %neg3A_76, %div3A_63 : vector<8x48xf32>
    %sub3A_78 = vector.broadcast %div3A_75 : vector<8x1xf32> to vector<8x48xf32>
    %sub3A_79 = arith.subf %reduce_sum3A_57, %sub3A_78 : vector<8x48xf32>
    %mul3A_80 = arith.mulf %neg3A_77, %sub3A_79 : vector<8x48xf32>
    %swap3A = arith.constant 0 : index
    %swap3A_81 = arith.constant 0 : index
    %swap3A_82 = vector.load %arg7[%swap3A, %swap3A_81] : memref<8x48xf32, #tpu.memory_space<vmem>>, vector<8x48xf32>
    tpu.vector_store %arg7[%swap3A, %swap3A_81], %mul3A_80 {strides = array<i32>} : memref<8x48xf32, #tpu.memory_space<vmem>>, vector<8x48xf32>,
    %broadcast_in_dim3A_83 = vector.shape_cast %mul3A_80 : vector<8x48xf32> to vector<8x48x1xf32>
    %get3A_84 = arith.constant 0 : index
    %get3A_85 = arith.constant 0 : index
    %get3A_86 = arith.constant 0 : index
    %get3A_87 = vector.load %arg3[%get3A_84, %get3A_85, %get3A_86] : memref<8x48x48xf32, #tpu.memory_space<vmem>>, vector<8x48x48xf32>
    %mul3A_88 = vector.broadcast %broadcast_in_dim3A_83 : vector<8x48x1xf32> to vector<8x48x48xf32>
    %mul3A_89 = arith.mulf %mul3A_88, %get3A_87 : vector<8x48x48xf32>
    %reduce_sum3A_90 = arith.constant dense<0.000000e+00> : vector<8x48xf32>
    %reduce_sum3A_91 = vector.multi_reduction <add>, %mul3A_89, %reduce_sum3A_90 [1] : vector<8x48x48xf32> to vector<8x48xf32>
    %get3A_92 = arith.constant 0 : index
    %get3A_93 = arith.constant 0 : index
    %get3A_94 = arith.constant 0 : index
    %get3A_95 = arith.constant 0 : index
    %get3A_96 = vector.load %arg4[%get3A_92, %get3A_93, %get3A_94, %get3A_95] : memref<8x48x48x64xf32, #tpu.memory_space<vmem>>, vector<8x48x48x64xf32>
    %broadcast_in_dim3A_97 = vector.shape_cast %mul3A_80 : vector<8x48xf32> to vector<8x1x48x1xf32>
    %mul3A_98 = vector.broadcast %broadcast_in_dim3A_97 : vector<8x1x48x1xf32> to vector<8x48x48x64xf32>
    %mul3A_99 = arith.mulf %get3A_96, %mul3A_98 : vector<8x48x48x64xf32>
    %reduce_sum3A_100 = arith.constant dense<0.000000e+00> : vector<8x48x64xf32>
    %reduce_sum3A_101 = vector.multi_reduction <add>, %mul3A_99, %reduce_sum3A_100 [2] : vector<8x48x48x64xf32> to vector<8x48x64xf32>
    %broadcast_in_dim3A_102 = vector.shape_cast %mul3A_80 : vector<8x48xf32> to vector<8x48x1xf32>
    %broadcast_in_dim3A_103 = vector.shape_cast %reduce_sum3A_91 : vector<8x48xf32> to vector<8x48x1xf32>
    %concatenate3A = tpu.concatenate %reduce_sum3A_101, %broadcast_in_dim3A_102, %broadcast_in_dim3A_103 in 2 : vector<8x48x64xf32>, vector<8x48x1xf32>, vector<8x48x1xf32> -> vector<8x48x66xf32>
    %swap3A_104 = arith.constant 0 : index
    %swap3A_105 = arith.constant 0 : index
    %swap3A_106 = arith.constant 0 : index
    %swap3A_107 = vector.load %arg8[%swap3A_104, %swap3A_105, %swap3A_106] : memref<8x48x66xf32, #tpu.memory_space<vmem>>, vector<8x48x66xf32>
    tpu.vector_store %arg8[%swap3A_104, %swap3A_105, %swap3A_106], %concatenate3A {strides = array<i32>} : memref<8x48x66xf32, #tpu.memory_space<vmem>>, vector<8x48x66xf32>,
    return
  }
  func.func @transform_0(%arg0: i32) -> (i32, i32) {
    %c0_i32 = arith.constant 0 : i32
    %c0_i32_0 = arith.constant 0 : i32
    %c0_i32_1 = arith.constant 0 : i32
    return %c0_i32, %c0_i32_0 : i32, i32
  }
  func.func @transform_1(%arg0: i32) -> (i32, i32) {
    %c0_i32 = arith.constant 0 : i32
    %c0_i32_0 = arith.constant 0 : i32
    return %arg0, %c0_i32 : i32, i32
  }
  func.func @transform_2(%arg0: i32) -> (i32, i32, i32) {
    %c0_i32 = arith.constant 0 : i32
    %c0_i32_0 = arith.constant 0 : i32
    %c0_i32_1 = arith.constant 0 : i32
    return %arg0, %c0_i32, %c0_i32_0 : i32, i32, i32
  }
  func.func @transform_3(%arg0: i32) -> (i32, i32, i32, i32) {
    %c0_i32 = arith.constant 0 : i32
    %c0_i32_0 = arith.constant 0 : i32
    %c0_i32_1 = arith.constant 0 : i32
    %c0_i32_2 = arith.constant 0 : i32
    return %arg0, %c0_i32, %c0_i32_0, %c0_i32_1 : i32, i32, i32, i32
  }
  func.func @transform_4(%arg0: i32) -> (i32, i32) {
    %c0_i32 = arith.constant 0 : i32
    %c0_i32_0 = arith.constant 0 : i32
    return %arg0, %c0_i32 : i32, i32
  }
  func.func @transform_5(%arg0: i32) -> (i32, i32) {
    %c0_i32 = arith.constant 0 : i32
    %c0_i32_0 = arith.constant 0 : i32
    return %arg0, %c0_i32 : i32, i32
  }
  func.func @transform_6(%arg0: i32) -> (i32, i32) {
    %c0_i32 = arith.constant 0 : i32
    %c0_i32_0 = arith.constant 0 : i32
    return %arg0, %c0_i32 : i32, i32
  }
  func.func @transform_7(%arg0: i32) -> (i32, i32, i32) {
    %c0_i32 = arith.constant 0 : i32
    %c0_i32_0 = arith.constant 0 : i32
    %c0_i32_1 = arith.constant 0 : i32
    return %arg0, %c0_i32, %c0_i32_0 : i32, i32, i32
  }
}

module attributes {stable_mosaic.version = 14 : i64} {
  func.func @_mlp_body_dyn(%arg0: i32, %arg1: memref<32xi32, #tpu.memory_space<smem>>, %arg2: memref<1x128x1xi32, #tpu.memory_space<vmem>>, %arg3: memref<128x256xf32, #tpu.memory_space<vmem>>, %arg4: memref<3072x66xf32, #tpu.memory_space<vmem>>, %arg5: memref<1x322x256xf32, #tpu.memory_space<vmem>>, %arg6: memref<1x1x256xf32, #tpu.memory_space<vmem>>, %arg7: memref<1x256x192xf32, #tpu.memory_space<vmem>>, %arg8: memref<1x1x192xf32, #tpu.memory_space<vmem>>, %arg9: memref<1x192x160xf32, #tpu.memory_space<vmem>>, %arg10: memref<1x1x160xf32, #tpu.memory_space<vmem>>, %arg11: memref<1x160x1xf32, #tpu.memory_space<vmem>>, %arg12: memref<1x1x1xf32, #tpu.memory_space<vmem>>, %arg13: memref<128x1xf32, #tpu.memory_space<vmem>>) attributes {dimension_semantics = [#tpu.dimension_semantics<arbitrary>], iteration_bounds = array<i64: 32>, scalar_prefetch = 1 : i64, scratch_operands = 0 : i64, tpu.core_type = #tpu.core_type<tc>, window_params = [{transform_indices = @transform_0, window_bounds = array<i64: 1, 128, 1>}, {transform_indices = @transform_1, window_bounds = array<i64: 128, 256>}, {pipeline_mode = #tpu.pipeline_mode<synchronous>, transform_indices = @transform_2, window_bounds = array<i64: 3072, 66>}, {transform_indices = @transform_3, window_bounds = array<i64: 1, 322, 256>}, {transform_indices = @transform_4, window_bounds = array<i64: 1, 1, 256>}, {transform_indices = @transform_5, window_bounds = array<i64: 1, 256, 192>}, {transform_indices = @transform_6, window_bounds = array<i64: 1, 1, 192>}, {transform_indices = @transform_7, window_bounds = array<i64: 1, 192, 160>}, {transform_indices = @transform_8, window_bounds = array<i64: 1, 1, 160>}, {transform_indices = @transform_9, window_bounds = array<i64: 1, 160, 1>}, {transform_indices = @transform_10, window_bounds = array<i64: 1, 1, 1>}, {transform_indices = @transform_11, window_bounds = array<i64: 128, 1>}]} {
    %get3A = arith.constant 0 : index
    %get3A_0 = arith.constant 0 : index
    %get3A_1 = arith.constant 0 : index
    %get3A_2 = vector.load %arg2[%get3A, %get3A_0, %get3A_1] : memref<1x128x1xi32, #tpu.memory_space<vmem>>, vector<1x128x1xi32>
    %get3A_3 = vector.shape_cast %get3A_2 : vector<1x128x1xi32> to vector<128x1xi32>
    %jit3A = arith.constant 1024 : i32
    %eq3A = arith.constant 0 : i32
    %eq3A_4 = arith.cmpi eq, %jit3A, %eq3A : i32
    %jit3A_5 = arith.constant 1 : i32
    %select_n3A = arith.select %eq3A_4, %jit3A_5, %jit3A : i32
    %rem3A = vector.broadcast %select_n3A : i32 to vector<128x1xi32>
    %rem3A_6 = arith.remsi %get3A_3, %rem3A : vector<128x1xi32>
    %ne3A = arith.constant 0 : i32
    %ne3A_7 = vector.broadcast %ne3A : i32 to vector<128x1xi32>
    %ne3A_8 = arith.cmpi ne, %rem3A_6, %ne3A_7 : vector<128x1xi32>
    %lt3A = arith.constant 0 : i32
    %lt3A_9 = vector.broadcast %lt3A : i32 to vector<128x1xi32>
    %lt3A_10 = arith.cmpi slt, %rem3A_6, %lt3A_9 : vector<128x1xi32>
    %lt3A_11 = arith.constant 0 : i32
    %lt3A_12 = arith.cmpi slt, %select_n3A, %lt3A_11 : i32
    %ne3A_13 = vector.broadcast %lt3A_12 : i1 to vector<128x1xi1>
    %ne3A_14 = vector.broadcast %ne3A_13 : vector<128x1xi1> to vector<128x1xi1>
    %ne3A_15 = arith.xori %lt3A_10, %ne3A_14 : vector<128x1xi1>
    %and3A = arith.andi %ne3A_15, %ne3A_8 : vector<128x1xi1>
    %add3A = vector.broadcast %select_n3A : i32 to vector<128x1xi32>
    %add3A_16 = arith.addi %rem3A_6, %add3A : vector<128x1xi32>
    %select_n3A_17 = arith.select %and3A, %add3A_16, %rem3A_6 : vector<128x1xi1>, vector<128x1xi32>
    %jit3A_18 = arith.constant 1024 : i32
    %div3A = vector.broadcast %jit3A_18 : i32 to vector<128x1xi32>
    %div3A_19 = arith.divsi %get3A_3, %div3A : vector<128x1xi32>
    %sign3A = arith.constant 0 : i32
    %sign3A_20 = vector.broadcast %sign3A : i32 to vector<128x1xi32>
    %sign3A_21 = arith.cmpi sgt, %get3A_3, %sign3A_20 : vector<128x1xi32>
    %sign3A_22 = arith.extui %sign3A_21 : vector<128x1xi1> to vector<128x1xi32>
    %sign3A_23 = arith.constant 0 : i32
    %sign3A_24 = vector.broadcast %sign3A_23 : i32 to vector<128x1xi32>
    %sign3A_25 = arith.cmpi slt, %get3A_3, %sign3A_24 : vector<128x1xi32>
    %sign3A_26 = arith.extui %sign3A_25 : vector<128x1xi1> to vector<128x1xi32>
    %sign3A_27 = arith.subi %sign3A_22, %sign3A_26 : vector<128x1xi32>
    %sign3A_28 = arith.constant 0 : i32
    %sign3A_29 = arith.cmpi sgt, %jit3A_18, %sign3A_28 : i32
    %sign3A_30 = arith.extui %sign3A_29 : i1 to i32
    %sign3A_31 = arith.constant 0 : i32
    %sign3A_32 = arith.cmpi slt, %jit3A_18, %sign3A_31 : i32
    %sign3A_33 = arith.extui %sign3A_32 : i1 to i32
    %sign3A_34 = arith.subi %sign3A_30, %sign3A_33 : i32
    %ne3A_35 = vector.broadcast %sign3A_34 : i32 to vector<128x1xi32>
    %ne3A_36 = arith.cmpi ne, %sign3A_27, %ne3A_35 : vector<128x1xi32>
    %rem3A_37 = vector.broadcast %jit3A_18 : i32 to vector<128x1xi32>
    %rem3A_38 = arith.remsi %get3A_3, %rem3A_37 : vector<128x1xi32>
    %ne3A_39 = arith.constant 0 : i32
    %ne3A_40 = vector.broadcast %ne3A_39 : i32 to vector<128x1xi32>
    %ne3A_41 = arith.cmpi ne, %rem3A_38, %ne3A_40 : vector<128x1xi32>
    %and3A_42 = arith.andi %ne3A_36, %ne3A_41 : vector<128x1xi1>
    %sub3A = arith.constant 1 : i32
    %sub3A_43 = vector.broadcast %sub3A : i32 to vector<128x1xi32>
    %sub3A_44 = arith.subi %div3A_19, %sub3A_43 : vector<128x1xi32>
    %select_n3A_45 = arith.select %and3A_42, %sub3A_44, %div3A_19 : vector<128x1xi1>, vector<128x1xi32>
    %iota3A = tpu.iota {dimensions = array<i32: 1>} : vector<128x1024xi32>
    %eq3A_46 = vector.broadcast %select_n3A_17 : vector<128x1xi32> to vector<128x1024xi32>
    %eq3A_47 = arith.cmpi eq, %eq3A_46, %iota3A : vector<128x1024xi32>
    %convert_element_type3A = arith.extui %eq3A_47 : vector<128x1024xi1> to vector<128x1024xi32>
    %convert_element_type3A_48 = arith.sitofp %convert_element_type3A : vector<128x1024xi32> to vector<128x1024xf32>
    %get3A_49 = arith.constant 0 : index
    %get3A_50 = arith.constant 0 : index
    %get3A_51 = vector.load %arg4[%get3A_49, %get3A_50] : memref<3072x66xf32, #tpu.memory_space<vmem>>, vector<3072x66xf32>
    %reshape3A = vector.shape_cast %get3A_51 : vector<3072x66xf32> to vector<3x1024x66xf32>
    %broadcast_in_dim3A = arith.constant 0.000000e+00 : f32
    %broadcast_in_dim3A_52 = vector.broadcast %broadcast_in_dim3A : f32 to vector<128x66xf32>
    %slice3A = vector.extract_strided_slice %reshape3A {offsets = [0, 0, 0], sizes = [1, 1024, 66], strides = [1, 1, 1]} : vector<3x1024x66xf32> to vector<1x1024x66xf32>
    %squeeze3A = vector.shape_cast %slice3A : vector<1x1024x66xf32> to vector<1024x66xf32>
    %dot_general3A = arith.constant dense<0.000000e+00> : vector<128x66xf32>
    %dot_general3A_53 = tpu.matmul %convert_element_type3A_48, %squeeze3A, %dot_general3A {dimension_numbers = #tpu.dot_dimension_numbers<[1], [0], [0], [1], [0, 0, 1, 1], [], []>, transpose_lhs_hint = false} : vector<128x1024xf32>, vector<1024x66xf32>, vector<128x66xf32> -> vector<128x66xf32>
    %eq3A_54 = arith.constant 0 : i32
    %eq3A_55 = vector.broadcast %eq3A_54 : i32 to vector<128x1xi32>
    %eq3A_56 = arith.cmpi eq, %select_n3A_45, %eq3A_55 : vector<128x1xi32>
    %jit3A_57 = arith.constant 0.000000e+00 : f32
    %broadcast_in_dim3A_58 = vector.shape_cast %eq3A_56 : vector<128x1xi1> to vector<128x1xi1>
    %broadcast_in_dim3A_59 = vector.broadcast %broadcast_in_dim3A_58 : vector<128x1xi1> to vector<128x66xi1>
    %broadcast_in_dim3A_60 = vector.broadcast %jit3A_57 : f32 to vector<128x66xf32>
    %select_n3A_61 = arith.select %broadcast_in_dim3A_59, %dot_general3A_53, %broadcast_in_dim3A_60 : vector<128x66xi1>, vector<128x66xf32>
    %add3A_62 = arith.addf %broadcast_in_dim3A_52, %select_n3A_61 : vector<128x66xf32>
    %slice3A_63 = vector.extract_strided_slice %reshape3A {offsets = [1, 0, 0], sizes = [1, 1024, 66], strides = [1, 1, 1]} : vector<3x1024x66xf32> to vector<1x1024x66xf32>
    %squeeze3A_64 = vector.shape_cast %slice3A_63 : vector<1x1024x66xf32> to vector<1024x66xf32>
    %dot_general3A_65 = arith.constant dense<0.000000e+00> : vector<128x66xf32>
    %dot_general3A_66 = tpu.matmul %convert_element_type3A_48, %squeeze3A_64, %dot_general3A_65 {dimension_numbers = #tpu.dot_dimension_numbers<[1], [0], [0], [1], [0, 0, 1, 1], [], []>, transpose_lhs_hint = false} : vector<128x1024xf32>, vector<1024x66xf32>, vector<128x66xf32> -> vector<128x66xf32>
    %eq3A_67 = arith.constant 1 : i32
    %eq3A_68 = vector.broadcast %eq3A_67 : i32 to vector<128x1xi32>
    %eq3A_69 = arith.cmpi eq, %select_n3A_45, %eq3A_68 : vector<128x1xi32>
    %jit3A_70 = arith.constant 0.000000e+00 : f32
    %broadcast_in_dim3A_71 = vector.shape_cast %eq3A_69 : vector<128x1xi1> to vector<128x1xi1>
    %broadcast_in_dim3A_72 = vector.broadcast %broadcast_in_dim3A_71 : vector<128x1xi1> to vector<128x66xi1>
    %broadcast_in_dim3A_73 = vector.broadcast %jit3A_70 : f32 to vector<128x66xf32>
    %select_n3A_74 = arith.select %broadcast_in_dim3A_72, %dot_general3A_66, %broadcast_in_dim3A_73 : vector<128x66xi1>, vector<128x66xf32>
    %add3A_75 = arith.addf %add3A_62, %select_n3A_74 : vector<128x66xf32>
    %slice3A_76 = vector.extract_strided_slice %reshape3A {offsets = [2, 0, 0], sizes = [1, 1024, 66], strides = [1, 1, 1]} : vector<3x1024x66xf32> to vector<1x1024x66xf32>
    %squeeze3A_77 = vector.shape_cast %slice3A_76 : vector<1x1024x66xf32> to vector<1024x66xf32>
    %dot_general3A_78 = arith.constant dense<0.000000e+00> : vector<128x66xf32>
    %dot_general3A_79 = tpu.matmul %convert_element_type3A_48, %squeeze3A_77, %dot_general3A_78 {dimension_numbers = #tpu.dot_dimension_numbers<[1], [0], [0], [1], [0, 0, 1, 1], [], []>, transpose_lhs_hint = false} : vector<128x1024xf32>, vector<1024x66xf32>, vector<128x66xf32> -> vector<128x66xf32>
    %eq3A_80 = arith.constant 2 : i32
    %eq3A_81 = vector.broadcast %eq3A_80 : i32 to vector<128x1xi32>
    %eq3A_82 = arith.cmpi eq, %select_n3A_45, %eq3A_81 : vector<128x1xi32>
    %jit3A_83 = arith.constant 0.000000e+00 : f32
    %broadcast_in_dim3A_84 = vector.shape_cast %eq3A_82 : vector<128x1xi1> to vector<128x1xi1>
    %broadcast_in_dim3A_85 = vector.broadcast %broadcast_in_dim3A_84 : vector<128x1xi1> to vector<128x66xi1>
    %broadcast_in_dim3A_86 = vector.broadcast %jit3A_83 : f32 to vector<128x66xf32>
    %select_n3A_87 = arith.select %broadcast_in_dim3A_85, %dot_general3A_79, %broadcast_in_dim3A_86 : vector<128x66xi1>, vector<128x66xf32>
    %add3A_88 = arith.addf %add3A_75, %select_n3A_87 : vector<128x66xf32>
    %get3A_89 = arith.constant 0 : index
    %get3A_90 = arith.constant 0 : index
    %get3A_91 = arith.constant 0 : index
    %get3A_92 = vector.load %arg5[%get3A_89, %get3A_90, %get3A_91] : memref<1x322x256xf32, #tpu.memory_space<vmem>>, vector<1x322x256xf32>
    %get3A_93 = vector.shape_cast %get3A_92 : vector<1x322x256xf32> to vector<322x256xf32>
    %get3A_94 = arith.constant 0 : index
    %get3A_95 = arith.constant 0 : index
    %get3A_96 = vector.load %arg3[%get3A_94, %get3A_95] : memref<128x256xf32, #tpu.memory_space<vmem>>, vector<128x256xf32>
    %slice3A_97 = vector.extract_strided_slice %get3A_93 {offsets = [0, 0], sizes = [256, 256], strides = [1, 1]} : vector<322x256xf32> to vector<256x256xf32>
    %dot_general3A_98 = arith.constant dense<0.000000e+00> : vector<128x256xf32>
    %dot_general3A_99 = tpu.matmul %get3A_96, %slice3A_97, %dot_general3A_98 {dimension_numbers = #tpu.dot_dimension_numbers<[1], [0], [0], [1], [0, 0, 1, 1], [], []>, transpose_lhs_hint = false} : vector<128x256xf32>, vector<256x256xf32>, vector<128x256xf32> -> vector<128x256xf32>
    %slice3A_100 = vector.extract_strided_slice %get3A_93 {offsets = [256, 0], sizes = [66, 256], strides = [1, 1]} : vector<322x256xf32> to vector<66x256xf32>
    %dot_general3A_101 = arith.constant dense<0.000000e+00> : vector<128x256xf32>
    %dot_general3A_102 = tpu.matmul %add3A_88, %slice3A_100, %dot_general3A_101 {dimension_numbers = #tpu.dot_dimension_numbers<[1], [0], [0], [1], [0, 0, 1, 1], [], []>, transpose_lhs_hint = false} : vector<128x66xf32>, vector<66x256xf32>, vector<128x256xf32> -> vector<128x256xf32>
    %add3A_103 = arith.addf %dot_general3A_99, %dot_general3A_102 : vector<128x256xf32>
    %get3A_104 = arith.constant 0 : index
    %get3A_105 = arith.constant 0 : index
    %get3A_106 = arith.constant 0 : index
    %get3A_107 = vector.load %arg6[%get3A_104, %get3A_105, %get3A_106] : memref<1x1x256xf32, #tpu.memory_space<vmem>>, vector<1x1x256xf32>
    %get3A_108 = vector.shape_cast %get3A_107 : vector<1x1x256xf32> to vector<1x256xf32>
    %add3A_109 = vector.broadcast %get3A_108 : vector<1x256xf32> to vector<128x256xf32>
    %add3A_110 = arith.addf %add3A_103, %add3A_109 : vector<128x256xf32>
    %gt3A = arith.constant 0.000000e+00 : f32
    %gt3A_111 = vector.broadcast %gt3A : f32 to vector<128x256xf32>
    %gt3A_112 = arith.cmpf ogt, %add3A_110, %gt3A_111 : vector<128x256xf32>
    %div3A_113 = arith.constant 1.000000e-01 : f32
    %div3A_114 = vector.broadcast %div3A_113 : f32 to vector<128x256xf32>
    %div3A_115 = arith.divf %add3A_110, %div3A_114 : vector<128x256xf32>
    %exp3A = math.exp %div3A_115 : vector<128x256xf32>
    %sub3A_116 = arith.constant 1.000000e+00 : f32
    %sub3A_117 = vector.broadcast %sub3A_116 : f32 to vector<128x256xf32>
    %sub3A_118 = arith.subf %exp3A, %sub3A_117 : vector<128x256xf32>
    %mul3A = arith.constant 1.000000e-01 : f32
    %mul3A_119 = vector.broadcast %mul3A : f32 to vector<128x256xf32>
    %mul3A_120 = arith.mulf %mul3A_119, %sub3A_118 : vector<128x256xf32>
    %select_n3A_121 = arith.select %gt3A_112, %add3A_110, %mul3A_120 : vector<128x256xi1>, vector<128x256xf32>
    %get3A_122 = arith.constant 0 : index
    %get3A_123 = arith.constant 0 : index
    %get3A_124 = arith.constant 0 : index
    %get3A_125 = vector.load %arg7[%get3A_122, %get3A_123, %get3A_124] : memref<1x256x192xf32, #tpu.memory_space<vmem>>, vector<1x256x192xf32>
    %get3A_126 = vector.shape_cast %get3A_125 : vector<1x256x192xf32> to vector<256x192xf32>
    %dot_general3A_127 = arith.constant dense<0.000000e+00> : vector<128x192xf32>
    %dot_general3A_128 = tpu.matmul %select_n3A_121, %get3A_126, %dot_general3A_127 {dimension_numbers = #tpu.dot_dimension_numbers<[1], [0], [0], [1], [0, 0, 1, 1], [], []>, transpose_lhs_hint = false} : vector<128x256xf32>, vector<256x192xf32>, vector<128x192xf32> -> vector<128x192xf32>
    %get3A_129 = arith.constant 0 : index
    %get3A_130 = arith.constant 0 : index
    %get3A_131 = arith.constant 0 : index
    %get3A_132 = vector.load %arg8[%get3A_129, %get3A_130, %get3A_131] : memref<1x1x192xf32, #tpu.memory_space<vmem>>, vector<1x1x192xf32>
    %get3A_133 = vector.shape_cast %get3A_132 : vector<1x1x192xf32> to vector<1x192xf32>
    %add3A_134 = vector.broadcast %get3A_133 : vector<1x192xf32> to vector<128x192xf32>
    %add3A_135 = arith.addf %dot_general3A_128, %add3A_134 : vector<128x192xf32>
    %gt3A_136 = arith.constant 0.000000e+00 : f32
    %gt3A_137 = vector.broadcast %gt3A_136 : f32 to vector<128x192xf32>
    %gt3A_138 = arith.cmpf ogt, %add3A_135, %gt3A_137 : vector<128x192xf32>
    %div3A_139 = arith.constant 1.000000e-01 : f32
    %div3A_140 = vector.broadcast %div3A_139 : f32 to vector<128x192xf32>
    %div3A_141 = arith.divf %add3A_135, %div3A_140 : vector<128x192xf32>
    %exp3A_142 = math.exp %div3A_141 : vector<128x192xf32>
    %sub3A_143 = arith.constant 1.000000e+00 : f32
    %sub3A_144 = vector.broadcast %sub3A_143 : f32 to vector<128x192xf32>
    %sub3A_145 = arith.subf %exp3A_142, %sub3A_144 : vector<128x192xf32>
    %mul3A_146 = arith.constant 1.000000e-01 : f32
    %mul3A_147 = vector.broadcast %mul3A_146 : f32 to vector<128x192xf32>
    %mul3A_148 = arith.mulf %mul3A_147, %sub3A_145 : vector<128x192xf32>
    %select_n3A_149 = arith.select %gt3A_138, %add3A_135, %mul3A_148 : vector<128x192xi1>, vector<128x192xf32>
    %get3A_150 = arith.constant 0 : index
    %get3A_151 = arith.constant 0 : index
    %get3A_152 = arith.constant 0 : index
    %get3A_153 = vector.load %arg9[%get3A_150, %get3A_151, %get3A_152] : memref<1x192x160xf32, #tpu.memory_space<vmem>>, vector<1x192x160xf32>
    %get3A_154 = vector.shape_cast %get3A_153 : vector<1x192x160xf32> to vector<192x160xf32>
    %dot_general3A_155 = arith.constant dense<0.000000e+00> : vector<128x160xf32>
    %dot_general3A_156 = tpu.matmul %select_n3A_149, %get3A_154, %dot_general3A_155 {dimension_numbers = #tpu.dot_dimension_numbers<[1], [0], [0], [1], [0, 0, 1, 1], [], []>, transpose_lhs_hint = false} : vector<128x192xf32>, vector<192x160xf32>, vector<128x160xf32> -> vector<128x160xf32>
    %get3A_157 = arith.constant 0 : index
    %get3A_158 = arith.constant 0 : index
    %get3A_159 = arith.constant 0 : index
    %get3A_160 = vector.load %arg10[%get3A_157, %get3A_158, %get3A_159] : memref<1x1x160xf32, #tpu.memory_space<vmem>>, vector<1x1x160xf32>
    %get3A_161 = vector.shape_cast %get3A_160 : vector<1x1x160xf32> to vector<1x160xf32>
    %add3A_162 = vector.broadcast %get3A_161 : vector<1x160xf32> to vector<128x160xf32>
    %add3A_163 = arith.addf %dot_general3A_156, %add3A_162 : vector<128x160xf32>
    %gt3A_164 = arith.constant 0.000000e+00 : f32
    %gt3A_165 = vector.broadcast %gt3A_164 : f32 to vector<128x160xf32>
    %gt3A_166 = arith.cmpf ogt, %add3A_163, %gt3A_165 : vector<128x160xf32>
    %div3A_167 = arith.constant 1.000000e-01 : f32
    %div3A_168 = vector.broadcast %div3A_167 : f32 to vector<128x160xf32>
    %div3A_169 = arith.divf %add3A_163, %div3A_168 : vector<128x160xf32>
    %exp3A_170 = math.exp %div3A_169 : vector<128x160xf32>
    %sub3A_171 = arith.constant 1.000000e+00 : f32
    %sub3A_172 = vector.broadcast %sub3A_171 : f32 to vector<128x160xf32>
    %sub3A_173 = arith.subf %exp3A_170, %sub3A_172 : vector<128x160xf32>
    %mul3A_174 = arith.constant 1.000000e-01 : f32
    %mul3A_175 = vector.broadcast %mul3A_174 : f32 to vector<128x160xf32>
    %mul3A_176 = arith.mulf %mul3A_175, %sub3A_173 : vector<128x160xf32>
    %select_n3A_177 = arith.select %gt3A_166, %add3A_163, %mul3A_176 : vector<128x160xi1>, vector<128x160xf32>
    %get3A_178 = arith.constant 0 : index
    %get3A_179 = arith.constant 0 : index
    %get3A_180 = arith.constant 0 : index
    %get3A_181 = vector.load %arg11[%get3A_178, %get3A_179, %get3A_180] : memref<1x160x1xf32, #tpu.memory_space<vmem>>, vector<1x160x1xf32>
    %get3A_182 = vector.shape_cast %get3A_181 : vector<1x160x1xf32> to vector<160x1xf32>
    %dot_general3A_183 = arith.constant dense<0.000000e+00> : vector<128x1xf32>
    %dot_general3A_184 = tpu.matmul %select_n3A_177, %get3A_182, %dot_general3A_183 {dimension_numbers = #tpu.dot_dimension_numbers<[1], [0], [0], [1], [0, 0, 1, 1], [], []>, transpose_lhs_hint = false} : vector<128x160xf32>, vector<160x1xf32>, vector<128x1xf32> -> vector<128x1xf32>
    %get3A_185 = arith.constant 0 : index
    %get3A_186 = arith.constant 0 : index
    %get3A_187 = arith.constant 0 : index
    %get3A_188 = vector.load %arg12[%get3A_185, %get3A_186, %get3A_187] : memref<1x1x1xf32, #tpu.memory_space<vmem>>, vector<1x1x1xf32>
    %get3A_189 = vector.shape_cast %get3A_188 : vector<1x1x1xf32> to vector<1x1xf32>
    %add3A_190 = vector.broadcast %get3A_189 : vector<1x1xf32> to vector<128x1xf32>
    %add3A_191 = arith.addf %dot_general3A_184, %add3A_190 : vector<128x1xf32>
    %swap3A = arith.constant 0 : index
    %swap3A_192 = arith.constant 0 : index
    %swap3A_193 = vector.load %arg13[%swap3A, %swap3A_192] : memref<128x1xf32, #tpu.memory_space<vmem>>, vector<128x1xf32>
    tpu.vector_store %arg13[%swap3A, %swap3A_192], %add3A_191 {strides = array<i32>} : memref<128x1xf32, #tpu.memory_space<vmem>>, vector<128x1xf32>,
    return
  }
  func.func @transform_0(%arg0: i32, %arg1: memref<32xi32, #tpu.memory_space<smem>>) -> (i32, i32, i32) {
    %c0_i32 = arith.constant 0 : i32
    %c0_i32_0 = arith.constant 0 : i32
    %c0_i32_1 = arith.constant 0 : i32
    return %arg0, %c0_i32, %c0_i32_0 : i32, i32, i32
  }
  func.func @transform_1(%arg0: i32, %arg1: memref<32xi32, #tpu.memory_space<smem>>) -> (i32, i32) {
    %c0_i32 = arith.constant 0 : i32
    %c0_i32_0 = arith.constant 0 : i32
    return %arg0, %c0_i32 : i32, i32
  }
  func.func @transform_2(%arg0: i32, %arg1: memref<32xi32, #tpu.memory_space<smem>>) -> (i32, i32) {
    %c0_i32 = arith.constant 0 : i32
    %c0_i32_0 = arith.constant 0 : i32
    %c0_i32_1 = arith.constant 0 : i32
    return %c0_i32, %c0_i32_0 : i32, i32
  }
  func.func @transform_3(%arg0: i32, %arg1: memref<32xi32, #tpu.memory_space<smem>>) -> (i32, i32, i32) {
    %get3A = arith.index_cast %arg0 : i32 to index
    %get3A_0 = memref.load %arg1[%get3A] : memref<32xi32, #tpu.memory_space<smem>>
    %c0_i32 = arith.constant 0 : i32
    %c0_i32_1 = arith.constant 0 : i32
    %c0_i32_2 = arith.constant 0 : i32
    return %get3A_0, %c0_i32, %c0_i32_1 : i32, i32, i32
  }
  func.func @transform_4(%arg0: i32, %arg1: memref<32xi32, #tpu.memory_space<smem>>) -> (i32, i32, i32) {
    %get3A = arith.index_cast %arg0 : i32 to index
    %get3A_0 = memref.load %arg1[%get3A] : memref<32xi32, #tpu.memory_space<smem>>
    %c0_i32 = arith.constant 0 : i32
    %c0_i32_1 = arith.constant 0 : i32
    %c0_i32_2 = arith.constant 0 : i32
    return %get3A_0, %c0_i32, %c0_i32_1 : i32, i32, i32
  }
  func.func @transform_5(%arg0: i32, %arg1: memref<32xi32, #tpu.memory_space<smem>>) -> (i32, i32, i32) {
    %get3A = arith.index_cast %arg0 : i32 to index
    %get3A_0 = memref.load %arg1[%get3A] : memref<32xi32, #tpu.memory_space<smem>>
    %c0_i32 = arith.constant 0 : i32
    %c0_i32_1 = arith.constant 0 : i32
    %c0_i32_2 = arith.constant 0 : i32
    return %get3A_0, %c0_i32, %c0_i32_1 : i32, i32, i32
  }
  func.func @transform_6(%arg0: i32, %arg1: memref<32xi32, #tpu.memory_space<smem>>) -> (i32, i32, i32) {
    %get3A = arith.index_cast %arg0 : i32 to index
    %get3A_0 = memref.load %arg1[%get3A] : memref<32xi32, #tpu.memory_space<smem>>
    %c0_i32 = arith.constant 0 : i32
    %c0_i32_1 = arith.constant 0 : i32
    %c0_i32_2 = arith.constant 0 : i32
    return %get3A_0, %c0_i32, %c0_i32_1 : i32, i32, i32
  }
  func.func @transform_7(%arg0: i32, %arg1: memref<32xi32, #tpu.memory_space<smem>>) -> (i32, i32, i32) {
    %get3A = arith.index_cast %arg0 : i32 to index
    %get3A_0 = memref.load %arg1[%get3A] : memref<32xi32, #tpu.memory_space<smem>>
    %c0_i32 = arith.constant 0 : i32
    %c0_i32_1 = arith.constant 0 : i32
    %c0_i32_2 = arith.constant 0 : i32
    return %get3A_0, %c0_i32, %c0_i32_1 : i32, i32, i32
  }
  func.func @transform_8(%arg0: i32, %arg1: memref<32xi32, #tpu.memory_space<smem>>) -> (i32, i32, i32) {
    %get3A = arith.index_cast %arg0 : i32 to index
    %get3A_0 = memref.load %arg1[%get3A] : memref<32xi32, #tpu.memory_space<smem>>
    %c0_i32 = arith.constant 0 : i32
    %c0_i32_1 = arith.constant 0 : i32
    %c0_i32_2 = arith.constant 0 : i32
    return %get3A_0, %c0_i32, %c0_i32_1 : i32, i32, i32
  }
  func.func @transform_9(%arg0: i32, %arg1: memref<32xi32, #tpu.memory_space<smem>>) -> (i32, i32, i32) {
    %get3A = arith.index_cast %arg0 : i32 to index
    %get3A_0 = memref.load %arg1[%get3A] : memref<32xi32, #tpu.memory_space<smem>>
    %c0_i32 = arith.constant 0 : i32
    %c0_i32_1 = arith.constant 0 : i32
    %c0_i32_2 = arith.constant 0 : i32
    return %get3A_0, %c0_i32, %c0_i32_1 : i32, i32, i32
  }
  func.func @transform_10(%arg0: i32, %arg1: memref<32xi32, #tpu.memory_space<smem>>) -> (i32, i32, i32) {
    %get3A = arith.index_cast %arg0 : i32 to index
    %get3A_0 = memref.load %arg1[%get3A] : memref<32xi32, #tpu.memory_space<smem>>
    %c0_i32 = arith.constant 0 : i32
    %c0_i32_1 = arith.constant 0 : i32
    %c0_i32_2 = arith.constant 0 : i32
    return %get3A_0, %c0_i32, %c0_i32_1 : i32, i32, i32
  }
  func.func @transform_11(%arg0: i32, %arg1: memref<32xi32, #tpu.memory_space<smem>>) -> (i32, i32) {
    %c0_i32 = arith.constant 0 : i32
    %c0_i32_0 = arith.constant 0 : i32
    return %arg0, %c0_i32 : i32, i32
  }
}

module attributes {stable_mosaic.version = 14 : i64} {
  func.func @_update_body(%arg0: i32, %arg1: memref<32x128xf32, #tpu.memory_space<vmem>>, %arg2: memref<8x48xi32, #tpu.memory_space<vmem>>, %arg3: memref<8x48x48xf32, #tpu.memory_space<vmem>>, %arg4: memref<8x48x48x64xf32, #tpu.memory_space<vmem>>, %arg5: memref<8x48xf32, #tpu.memory_space<vmem>>, %arg6: memref<8x1xf32, #tpu.memory_space<vmem>>, %arg7: memref<8x48xf32, #tpu.memory_space<vmem>>, %arg8: memref<8x48x66xf32, #tpu.memory_space<vmem>>) attributes {dimension_semantics = [#tpu.dimension_semantics<arbitrary>], iteration_bounds = array<i64: 8>, scalar_prefetch = 0 : i64, scratch_operands = 0 : i64, tpu.core_type = #tpu.core_type<tc>, window_params = [{pipeline_mode = #tpu.pipeline_mode<synchronous>, transform_indices = @transform_0, window_bounds = array<i64: 32, 128>}, {transform_indices = @transform_1, window_bounds = array<i64: 8, 48>}, {transform_indices = @transform_2, window_bounds = array<i64: 8, 48, 48>}, {transform_indices = @transform_3, window_bounds = array<i64: 8, 48, 48, 64>}, {transform_indices = @transform_4, window_bounds = array<i64: 8, 48>}, {transform_indices = @transform_5, window_bounds = array<i64: 8, 1>}, {transform_indices = @transform_6, window_bounds = array<i64: 8, 48>}, {transform_indices = @transform_7, window_bounds = array<i64: 8, 48, 66>}]} {
    %get3A = arith.constant 0 : index
    %get3A_0 = arith.constant 0 : index
    %get3A_1 = vector.load %arg2[%get3A, %get3A_0] : memref<8x48xi32, #tpu.memory_space<vmem>>, vector<8x48xi32>
    %get3A_2 = arith.constant 0 : index
    %get3A_3 = arith.constant 0 : index
    %get3A_4 = vector.load %arg1[%get3A_2, %get3A_3] : memref<32x128xf32, #tpu.memory_space<vmem>>, vector<32x128xf32>
    %jit3A = arith.constant 128 : i32
    %div3A = vector.broadcast %jit3A : i32 to vector<8x48xi32>
    %div3A_5 = arith.divsi %get3A_1, %div3A : vector<8x48xi32>
    %sign3A = arith.constant 0 : i32
    %sign3A_6 = vector.broadcast %sign3A : i32 to vector<8x48xi32>
    %sign3A_7 = arith.cmpi sgt, %get3A_1, %sign3A_6 : vector<8x48xi32>
    %sign3A_8 = arith.extui %sign3A_7 : vector<8x48xi1> to vector<8x48xi32>
    %sign3A_9 = arith.constant 0 : i32
    %sign3A_10 = vector.broadcast %sign3A_9 : i32 to vector<8x48xi32>
    %sign3A_11 = arith.cmpi slt, %get3A_1, %sign3A_10 : vector<8x48xi32>
    %sign3A_12 = arith.extui %sign3A_11 : vector<8x48xi1> to vector<8x48xi32>
    %sign3A_13 = arith.subi %sign3A_8, %sign3A_12 : vector<8x48xi32>
    %sign3A_14 = arith.constant 0 : i32
    %sign3A_15 = arith.cmpi sgt, %jit3A, %sign3A_14 : i32
    %sign3A_16 = arith.extui %sign3A_15 : i1 to i32
    %sign3A_17 = arith.constant 0 : i32
    %sign3A_18 = arith.cmpi slt, %jit3A, %sign3A_17 : i32
    %sign3A_19 = arith.extui %sign3A_18 : i1 to i32
    %sign3A_20 = arith.subi %sign3A_16, %sign3A_19 : i32
    %ne3A = vector.broadcast %sign3A_20 : i32 to vector<8x48xi32>
    %ne3A_21 = arith.cmpi ne, %sign3A_13, %ne3A : vector<8x48xi32>
    %rem3A = vector.broadcast %jit3A : i32 to vector<8x48xi32>
    %rem3A_22 = arith.remsi %get3A_1, %rem3A : vector<8x48xi32>
    %ne3A_23 = arith.constant 0 : i32
    %ne3A_24 = vector.broadcast %ne3A_23 : i32 to vector<8x48xi32>
    %ne3A_25 = arith.cmpi ne, %rem3A_22, %ne3A_24 : vector<8x48xi32>
    %and3A = arith.andi %ne3A_21, %ne3A_25 : vector<8x48xi1>
    %sub3A = arith.constant 1 : i32
    %sub3A_26 = vector.broadcast %sub3A : i32 to vector<8x48xi32>
    %sub3A_27 = arith.subi %div3A_5, %sub3A_26 : vector<8x48xi32>
    %select_n3A = arith.select %and3A, %sub3A_27, %div3A_5 : vector<8x48xi1>, vector<8x48xi32>
    %jit3A_28 = arith.constant 128 : i32
    %eq3A = arith.constant 0 : i32
    %eq3A_29 = arith.cmpi eq, %jit3A_28, %eq3A : i32
    %jit3A_30 = arith.constant 1 : i32
    %select_n3A_31 = arith.select %eq3A_29, %jit3A_30, %jit3A_28 : i32
    %rem3A_32 = vector.broadcast %select_n3A_31 : i32 to vector<8x48xi32>
    %rem3A_33 = arith.remsi %get3A_1, %rem3A_32 : vector<8x48xi32>
    %ne3A_34 = arith.constant 0 : i32
    %ne3A_35 = vector.broadcast %ne3A_34 : i32 to vector<8x48xi32>
    %ne3A_36 = arith.cmpi ne, %rem3A_33, %ne3A_35 : vector<8x48xi32>
    %lt3A = arith.constant 0 : i32
    %lt3A_37 = vector.broadcast %lt3A : i32 to vector<8x48xi32>
    %lt3A_38 = arith.cmpi slt, %rem3A_33, %lt3A_37 : vector<8x48xi32>
    %lt3A_39 = arith.constant 0 : i32
    %lt3A_40 = arith.cmpi slt, %select_n3A_31, %lt3A_39 : i32
    %ne3A_41 = vector.broadcast %lt3A_40 : i1 to vector<8x48xi1>
    %ne3A_42 = vector.broadcast %ne3A_41 : vector<8x48xi1> to vector<8x48xi1>
    %ne3A_43 = arith.xori %lt3A_38, %ne3A_42 : vector<8x48xi1>
    %and3A_44 = arith.andi %ne3A_43, %ne3A_36 : vector<8x48xi1>
    %add3A = vector.broadcast %select_n3A_31 : i32 to vector<8x48xi32>
    %add3A_45 = arith.addi %rem3A_33, %add3A : vector<8x48xi32>
    %select_n3A_46 = arith.select %and3A_44, %add3A_45, %rem3A_33 : vector<8x48xi1>, vector<8x48xi32>
    %broadcast_in_dim3A = vector.shape_cast %select_n3A : vector<8x48xi32> to vector<8x48x1xi32>
    %iota3A = tpu.iota {dimensions = array<i32: 2>} : vector<8x48x32xi32>
    %eq3A_47 = vector.broadcast %broadcast_in_dim3A : vector<8x48x1xi32> to vector<8x48x32xi32>
    %eq3A_48 = arith.cmpi eq, %eq3A_47, %iota3A : vector<8x48x32xi32>
    %convert_element_type3A = arith.extui %eq3A_48 : vector<8x48x32xi1> to vector<8x48x32xi32>
    %convert_element_type3A_49 = arith.sitofp %convert_element_type3A : vector<8x48x32xi32> to vector<8x48x32xf32>
    %dot_general3A = arith.constant dense<0.000000e+00> : vector<8x48x128xf32>
    %dot_general3A_50 = tpu.matmul %convert_element_type3A_49, %get3A_4, %dot_general3A {dimension_numbers = #tpu.dot_dimension_numbers<[2], [0], [0, 1], [1], [0, 0, 0, 1, 1, 1], [], []>, transpose_lhs_hint = false} : vector<8x48x32xf32>, vector<32x128xf32>, vector<8x48x128xf32> -> vector<8x48x128xf32>
    %broadcast_in_dim3A_51 = vector.shape_cast %select_n3A_46 : vector<8x48xi32> to vector<8x48x1xi32>
    %iota3A_52 = tpu.iota {dimensions = array<i32: 2>} : vector<8x48x128xi32>
    %eq3A_53 = vector.broadcast %broadcast_in_dim3A_51 : vector<8x48x1xi32> to vector<8x48x128xi32>
    %eq3A_54 = arith.cmpi eq, %eq3A_53, %iota3A_52 : vector<8x48x128xi32>
    %convert_element_type3A_55 = arith.extui %eq3A_54 : vector<8x48x128xi1> to vector<8x48x128xi32>
    %convert_element_type3A_56 = arith.sitofp %convert_element_type3A_55 : vector<8x48x128xi32> to vector<8x48x128xf32>
    %mul3A = arith.mulf %convert_element_type3A_56, %dot_general3A_50 : vector<8x48x128xf32>
    %reduce_sum3A = arith.constant dense<0.000000e+00> : vector<8x48xf32>
    %reduce_sum3A_57 = vector.multi_reduction <add>, %mul3A, %reduce_sum3A [2] : vector<8x48x128xf32> to vector<8x48xf32>
    %get3A_58 = arith.constant 0 : index
    %get3A_59 = arith.constant 0 : index
    %get3A_60 = vector.load %arg5[%get3A_58, %get3A_59] : memref<8x48xf32, #tpu.memory_space<vmem>>, vector<8x48xf32>
    %div3A_61 = arith.constant 1.000000e+00 : f32
    %div3A_62 = vector.broadcast %div3A_61 : f32 to vector<8x48xf32>
    %div3A_63 = arith.divf %div3A_62, %get3A_60 : vector<8x48xf32>
    %mul3A_64 = arith.mulf %reduce_sum3A_57, %div3A_63 : vector<8x48xf32>
    %reduce_sum3A_65 = arith.constant dense<0.000000e+00> : vector<8xf32>
    %reduce_sum3A_66 = vector.multi_reduction <add>, %mul3A_64, %reduce_sum3A_65 [1] : vector<8x48xf32> to vector<8xf32>
    %broadcast_in_dim3A_67 = vector.shape_cast %reduce_sum3A_66 : vector<8xf32> to vector<8x1xf32>
    %reduce_sum3A_68 = arith.constant dense<0.000000e+00> : vector<8xf32>
    %reduce_sum3A_69 = vector.multi_reduction <add>, %div3A_63, %reduce_sum3A_68 [1] : vector<8x48xf32> to vector<8xf32>
    %broadcast_in_dim3A_70 = vector.shape_cast %reduce_sum3A_69 : vector<8xf32> to vector<8x1xf32>
    %get3A_71 = arith.constant 0 : index
    %get3A_72 = arith.constant 0 : index
    %get3A_73 = vector.load %arg6[%get3A_71, %get3A_72] : memref<8x1xf32, #tpu.memory_space<vmem>>, vector<8x1xf32>
    %add3A_74 = arith.addf %get3A_73, %broadcast_in_dim3A_67 : vector<8x1xf32>
    %div3A_75 = arith.divf %add3A_74, %broadcast_in_dim3A_70 : vector<8x1xf32>
    %neg3A = arith.constant 0.000000e+00 : f32
    %neg3A_76 = vector.broadcast %neg3A : f32 to vector<8x48xf32>
    %neg3A_77 = arith.subf %neg3A_76, %div3A_63 : vector<8x48xf32>
    %sub3A_78 = vector.broadcast %div3A_75 : vector<8x1xf32> to vector<8x48xf32>
    %sub3A_79 = arith.subf %reduce_sum3A_57, %sub3A_78 : vector<8x48xf32>
    %mul3A_80 = arith.mulf %neg3A_77, %sub3A_79 : vector<8x48xf32>
    %swap3A = arith.constant 0 : index
    %swap3A_81 = arith.constant 0 : index
    %swap3A_82 = vector.load %arg7[%swap3A, %swap3A_81] : memref<8x48xf32, #tpu.memory_space<vmem>>, vector<8x48xf32>
    tpu.vector_store %arg7[%swap3A, %swap3A_81], %mul3A_80 {strides = array<i32>} : memref<8x48xf32, #tpu.memory_space<vmem>>, vector<8x48xf32>,
    %broadcast_in_dim3A_83 = vector.shape_cast %mul3A_80 : vector<8x48xf32> to vector<8x48x1xf32>
    %get3A_84 = arith.constant 0 : index
    %get3A_85 = arith.constant 0 : index
    %get3A_86 = arith.constant 0 : index
    %get3A_87 = vector.load %arg3[%get3A_84, %get3A_85, %get3A_86] : memref<8x48x48xf32, #tpu.memory_space<vmem>>, vector<8x48x48xf32>
    %mul3A_88 = vector.broadcast %broadcast_in_dim3A_83 : vector<8x48x1xf32> to vector<8x48x48xf32>
    %mul3A_89 = arith.mulf %mul3A_88, %get3A_87 : vector<8x48x48xf32>
    %reduce_sum3A_90 = arith.constant dense<0.000000e+00> : vector<8x48xf32>
    %reduce_sum3A_91 = vector.multi_reduction <add>, %mul3A_89, %reduce_sum3A_90 [1] : vector<8x48x48xf32> to vector<8x48xf32>
    %get3A_92 = arith.constant 0 : index
    %get3A_93 = arith.constant 0 : index
    %get3A_94 = arith.constant 0 : index
    %get3A_95 = arith.constant 0 : index
    %get3A_96 = vector.load %arg4[%get3A_92, %get3A_93, %get3A_94, %get3A_95] : memref<8x48x48x64xf32, #tpu.memory_space<vmem>>, vector<8x48x48x64xf32>
    %broadcast_in_dim3A_97 = vector.shape_cast %mul3A_80 : vector<8x48xf32> to vector<8x1x48x1xf32>
    %mul3A_98 = vector.broadcast %broadcast_in_dim3A_97 : vector<8x1x48x1xf32> to vector<8x48x48x64xf32>
    %mul3A_99 = arith.mulf %get3A_96, %mul3A_98 : vector<8x48x48x64xf32>
    %reduce_sum3A_100 = arith.constant dense<0.000000e+00> : vector<8x48x64xf32>
    %reduce_sum3A_101 = vector.multi_reduction <add>, %mul3A_99, %reduce_sum3A_100 [2] : vector<8x48x48x64xf32> to vector<8x48x64xf32>
    %broadcast_in_dim3A_102 = vector.shape_cast %mul3A_80 : vector<8x48xf32> to vector<8x48x1xf32>
    %broadcast_in_dim3A_103 = vector.shape_cast %reduce_sum3A_91 : vector<8x48xf32> to vector<8x48x1xf32>
    %concatenate3A = tpu.concatenate %reduce_sum3A_101, %broadcast_in_dim3A_102, %broadcast_in_dim3A_103 in 2 : vector<8x48x64xf32>, vector<8x48x1xf32>, vector<8x48x1xf32> -> vector<8x48x66xf32>
    %swap3A_104 = arith.constant 0 : index
    %swap3A_105 = arith.constant 0 : index
    %swap3A_106 = arith.constant 0 : index
    %swap3A_107 = vector.load %arg8[%swap3A_104, %swap3A_105, %swap3A_106] : memref<8x48x66xf32, #tpu.memory_space<vmem>>, vector<8x48x66xf32>
    tpu.vector_store %arg8[%swap3A_104, %swap3A_105, %swap3A_106], %concatenate3A {strides = array<i32>} : memref<8x48x66xf32, #tpu.memory_space<vmem>>, vector<8x48x66xf32>,
    return
  }
  func.func @transform_0(%arg0: i32) -> (i32, i32) {
    %c0_i32 = arith.constant 0 : i32
    %c0_i32_0 = arith.constant 0 : i32
    %c0_i32_1 = arith.constant 0 : i32
    return %c0_i32, %c0_i32_0 : i32, i32
  }
  func.func @transform_1(%arg0: i32) -> (i32, i32) {
    %c0_i32 = arith.constant 0 : i32
    %c0_i32_0 = arith.constant 0 : i32
    return %arg0, %c0_i32 : i32, i32
  }
  func.func @transform_2(%arg0: i32) -> (i32, i32, i32) {
    %c0_i32 = arith.constant 0 : i32
    %c0_i32_0 = arith.constant 0 : i32
    %c0_i32_1 = arith.constant 0 : i32
    return %arg0, %c0_i32, %c0_i32_0 : i32, i32, i32
  }
  func.func @transform_3(%arg0: i32) -> (i32, i32, i32, i32) {
    %c0_i32 = arith.constant 0 : i32
    %c0_i32_0 = arith.constant 0 : i32
    %c0_i32_1 = arith.constant 0 : i32
    %c0_i32_2 = arith.constant 0 : i32
    return %arg0, %c0_i32, %c0_i32_0, %c0_i32_1 : i32, i32, i32, i32
  }
  func.func @transform_4(%arg0: i32) -> (i32, i32) {
    %c0_i32 = arith.constant 0 : i32
    %c0_i32_0 = arith.constant 0 : i32
    return %arg0, %c0_i32 : i32, i32
  }
  func.func @transform_5(%arg0: i32) -> (i32, i32) {
    %c0_i32 = arith.constant 0 : i32
    %c0_i32_0 = arith.constant 0 : i32
    return %arg0, %c0_i32 : i32, i32
  }
  func.func @transform_6(%arg0: i32) -> (i32, i32) {
    %c0_i32 = arith.constant 0 : i32
    %c0_i32_0 = arith.constant 0 : i32
    return %arg0, %c0_i32 : i32, i32
  }
  func.func @transform_7(%arg0: i32) -> (i32, i32, i32) {
    %c0_i32 = arith.constant 0 : i32
    %c0_i32_0 = arith.constant 0 : i32
    %c0_i32_1 = arith.constant 0 : i32
    return %arg0, %c0_i32, %c0_i32_0 : i32, i32, i32
  }
}

module attributes {stable_mosaic.version = 14 : i64} {
  func.func @_final_body(%arg0: i32, %arg1: memref<32x128xf32, #tpu.memory_space<vmem>>, %arg2: memref<8x48xi32, #tpu.memory_space<vmem>>, %arg3: memref<8x48xf32, #tpu.memory_space<vmem>>, %arg4: memref<8x48x48xf32, #tpu.memory_space<vmem>>, %arg5: memref<8x1xf32, #tpu.memory_space<vmem>>) attributes {dimension_semantics = [#tpu.dimension_semantics<arbitrary>], iteration_bounds = array<i64: 8>, scalar_prefetch = 0 : i64, scratch_operands = 0 : i64, tpu.core_type = #tpu.core_type<tc>, window_params = [{pipeline_mode = #tpu.pipeline_mode<synchronous>, transform_indices = @transform_0, window_bounds = array<i64: 32, 128>}, {transform_indices = @transform_1, window_bounds = array<i64: 8, 48>}, {transform_indices = @transform_2, window_bounds = array<i64: 8, 48>}, {transform_indices = @transform_3, window_bounds = array<i64: 8, 48, 48>}, {transform_indices = @transform_4, window_bounds = array<i64: 8, 1>}]} {
    %get3A = arith.constant 0 : index
    %get3A_0 = arith.constant 0 : index
    %get3A_1 = vector.load %arg2[%get3A, %get3A_0] : memref<8x48xi32, #tpu.memory_space<vmem>>, vector<8x48xi32>
    %get3A_2 = arith.constant 0 : index
    %get3A_3 = arith.constant 0 : index
    %get3A_4 = vector.load %arg1[%get3A_2, %get3A_3] : memref<32x128xf32, #tpu.memory_space<vmem>>, vector<32x128xf32>
    %jit3A = arith.constant 128 : i32
    %div3A = vector.broadcast %jit3A : i32 to vector<8x48xi32>
    %div3A_5 = arith.divsi %get3A_1, %div3A : vector<8x48xi32>
    %sign3A = arith.constant 0 : i32
    %sign3A_6 = vector.broadcast %sign3A : i32 to vector<8x48xi32>
    %sign3A_7 = arith.cmpi sgt, %get3A_1, %sign3A_6 : vector<8x48xi32>
    %sign3A_8 = arith.extui %sign3A_7 : vector<8x48xi1> to vector<8x48xi32>
    %sign3A_9 = arith.constant 0 : i32
    %sign3A_10 = vector.broadcast %sign3A_9 : i32 to vector<8x48xi32>
    %sign3A_11 = arith.cmpi slt, %get3A_1, %sign3A_10 : vector<8x48xi32>
    %sign3A_12 = arith.extui %sign3A_11 : vector<8x48xi1> to vector<8x48xi32>
    %sign3A_13 = arith.subi %sign3A_8, %sign3A_12 : vector<8x48xi32>
    %sign3A_14 = arith.constant 0 : i32
    %sign3A_15 = arith.cmpi sgt, %jit3A, %sign3A_14 : i32
    %sign3A_16 = arith.extui %sign3A_15 : i1 to i32
    %sign3A_17 = arith.constant 0 : i32
    %sign3A_18 = arith.cmpi slt, %jit3A, %sign3A_17 : i32
    %sign3A_19 = arith.extui %sign3A_18 : i1 to i32
    %sign3A_20 = arith.subi %sign3A_16, %sign3A_19 : i32
    %ne3A = vector.broadcast %sign3A_20 : i32 to vector<8x48xi32>
    %ne3A_21 = arith.cmpi ne, %sign3A_13, %ne3A : vector<8x48xi32>
    %rem3A = vector.broadcast %jit3A : i32 to vector<8x48xi32>
    %rem3A_22 = arith.remsi %get3A_1, %rem3A : vector<8x48xi32>
    %ne3A_23 = arith.constant 0 : i32
    %ne3A_24 = vector.broadcast %ne3A_23 : i32 to vector<8x48xi32>
    %ne3A_25 = arith.cmpi ne, %rem3A_22, %ne3A_24 : vector<8x48xi32>
    %and3A = arith.andi %ne3A_21, %ne3A_25 : vector<8x48xi1>
    %sub3A = arith.constant 1 : i32
    %sub3A_26 = vector.broadcast %sub3A : i32 to vector<8x48xi32>
    %sub3A_27 = arith.subi %div3A_5, %sub3A_26 : vector<8x48xi32>
    %select_n3A = arith.select %and3A, %sub3A_27, %div3A_5 : vector<8x48xi1>, vector<8x48xi32>
    %jit3A_28 = arith.constant 128 : i32
    %eq3A = arith.constant 0 : i32
    %eq3A_29 = arith.cmpi eq, %jit3A_28, %eq3A : i32
    %jit3A_30 = arith.constant 1 : i32
    %select_n3A_31 = arith.select %eq3A_29, %jit3A_30, %jit3A_28 : i32
    %rem3A_32 = vector.broadcast %select_n3A_31 : i32 to vector<8x48xi32>
    %rem3A_33 = arith.remsi %get3A_1, %rem3A_32 : vector<8x48xi32>
    %ne3A_34 = arith.constant 0 : i32
    %ne3A_35 = vector.broadcast %ne3A_34 : i32 to vector<8x48xi32>
    %ne3A_36 = arith.cmpi ne, %rem3A_33, %ne3A_35 : vector<8x48xi32>
    %lt3A = arith.constant 0 : i32
    %lt3A_37 = vector.broadcast %lt3A : i32 to vector<8x48xi32>
    %lt3A_38 = arith.cmpi slt, %rem3A_33, %lt3A_37 : vector<8x48xi32>
    %lt3A_39 = arith.constant 0 : i32
    %lt3A_40 = arith.cmpi slt, %select_n3A_31, %lt3A_39 : i32
    %ne3A_41 = vector.broadcast %lt3A_40 : i1 to vector<8x48xi1>
    %ne3A_42 = vector.broadcast %ne3A_41 : vector<8x48xi1> to vector<8x48xi1>
    %ne3A_43 = arith.xori %lt3A_38, %ne3A_42 : vector<8x48xi1>
    %and3A_44 = arith.andi %ne3A_43, %ne3A_36 : vector<8x48xi1>
    %add3A = vector.broadcast %select_n3A_31 : i32 to vector<8x48xi32>
    %add3A_45 = arith.addi %rem3A_33, %add3A : vector<8x48xi32>
    %select_n3A_46 = arith.select %and3A_44, %add3A_45, %rem3A_33 : vector<8x48xi1>, vector<8x48xi32>
    %broadcast_in_dim3A = vector.shape_cast %select_n3A : vector<8x48xi32> to vector<8x48x1xi32>
    %iota3A = tpu.iota {dimensions = array<i32: 2>} : vector<8x48x32xi32>
    %eq3A_47 = vector.broadcast %broadcast_in_dim3A : vector<8x48x1xi32> to vector<8x48x32xi32>
    %eq3A_48 = arith.cmpi eq, %eq3A_47, %iota3A : vector<8x48x32xi32>
    %convert_element_type3A = arith.extui %eq3A_48 : vector<8x48x32xi1> to vector<8x48x32xi32>
    %convert_element_type3A_49 = arith.sitofp %convert_element_type3A : vector<8x48x32xi32> to vector<8x48x32xf32>
    %dot_general3A = arith.constant dense<0.000000e+00> : vector<8x48x128xf32>
    %dot_general3A_50 = tpu.matmul %convert_element_type3A_49, %get3A_4, %dot_general3A {dimension_numbers = #tpu.dot_dimension_numbers<[2], [0], [0, 1], [1], [0, 0, 0, 1, 1, 1], [], []>, transpose_lhs_hint = false} : vector<8x48x32xf32>, vector<32x128xf32>, vector<8x48x128xf32> -> vector<8x48x128xf32>
    %broadcast_in_dim3A_51 = vector.shape_cast %select_n3A_46 : vector<8x48xi32> to vector<8x48x1xi32>
    %iota3A_52 = tpu.iota {dimensions = array<i32: 2>} : vector<8x48x128xi32>
    %eq3A_53 = vector.broadcast %broadcast_in_dim3A_51 : vector<8x48x1xi32> to vector<8x48x128xi32>
    %eq3A_54 = arith.cmpi eq, %eq3A_53, %iota3A_52 : vector<8x48x128xi32>
    %convert_element_type3A_55 = arith.extui %eq3A_54 : vector<8x48x128xi1> to vector<8x48x128xi32>
    %convert_element_type3A_56 = arith.sitofp %convert_element_type3A_55 : vector<8x48x128xi32> to vector<8x48x128xf32>
    %mul3A = arith.mulf %convert_element_type3A_56, %dot_general3A_50 : vector<8x48x128xf32>
    %reduce_sum3A = arith.constant dense<0.000000e+00> : vector<8x48xf32>
    %reduce_sum3A_57 = vector.multi_reduction <add>, %mul3A, %reduce_sum3A [2] : vector<8x48x128xf32> to vector<8x48xf32>
    %get3A_58 = arith.constant 0 : index
    %get3A_59 = arith.constant 0 : index
    %get3A_60 = vector.load %arg3[%get3A_58, %get3A_59] : memref<8x48xf32, #tpu.memory_space<vmem>>, vector<8x48xf32>
    %reduce_sum3A_61 = arith.constant dense<0.000000e+00> : vector<8xf32>
    %reduce_sum3A_62 = vector.multi_reduction <add>, %reduce_sum3A_57, %reduce_sum3A_61 [1] : vector<8x48xf32> to vector<8xf32>
    %broadcast_in_dim3A_63 = vector.shape_cast %reduce_sum3A_62 : vector<8xf32> to vector<8x1xf32>
    %broadcast_in_dim3A_64 = vector.shape_cast %get3A_60 : vector<8x48xf32> to vector<8x48x1xf32>
    %broadcast_in_dim3A_65 = vector.shape_cast %get3A_60 : vector<8x48xf32> to vector<8x1x48xf32>
    %mul3A_66 = vector.broadcast %broadcast_in_dim3A_64 : vector<8x48x1xf32> to vector<8x48x48xf32>
    %mul3A_67 = vector.broadcast %broadcast_in_dim3A_65 : vector<8x1x48xf32> to vector<8x48x48xf32>
    %mul3A_68 = arith.mulf %mul3A_66, %mul3A_67 : vector<8x48x48xf32>
    %get3A_69 = arith.constant 0 : index
    %get3A_70 = arith.constant 0 : index
    %get3A_71 = arith.constant 0 : index
    %get3A_72 = vector.load %arg4[%get3A_69, %get3A_70, %get3A_71] : memref<8x48x48xf32, #tpu.memory_space<vmem>>, vector<8x48x48xf32>
    %mul3A_73 = arith.mulf %mul3A_68, %get3A_72 : vector<8x48x48xf32>
    %reduce_sum3A_74 = arith.constant dense<0.000000e+00> : vector<8xf32>
    %reduce_sum3A_75 = vector.multi_reduction <add>, %mul3A_73, %reduce_sum3A_74 [1, 2] : vector<8x48x48xf32> to vector<8xf32>
    %mul3A_76 = arith.constant 5.000000e-01 : f32
    %mul3A_77 = vector.broadcast %mul3A_76 : f32 to vector<8xf32>
    %mul3A_78 = arith.mulf %mul3A_77, %reduce_sum3A_75 : vector<8xf32>
    %broadcast_in_dim3A_79 = vector.shape_cast %mul3A_78 : vector<8xf32> to vector<8x1xf32>
    %add3A_80 = arith.addf %broadcast_in_dim3A_63, %broadcast_in_dim3A_79 : vector<8x1xf32>
    %swap3A = arith.constant 0 : index
    %swap3A_81 = arith.constant 0 : index
    %swap3A_82 = vector.load %arg5[%swap3A, %swap3A_81] : memref<8x1xf32, #tpu.memory_space<vmem>>, vector<8x1xf32>
    tpu.vector_store %arg5[%swap3A, %swap3A_81], %add3A_80 {strides = array<i32>} : memref<8x1xf32, #tpu.memory_space<vmem>>, vector<8x1xf32>,
    return
  }
  func.func @transform_0(%arg0: i32) -> (i32, i32) {
    %c0_i32 = arith.constant 0 : i32
    %c0_i32_0 = arith.constant 0 : i32
    %c0_i32_1 = arith.constant 0 : i32
    return %c0_i32, %c0_i32_0 : i32, i32
  }
  func.func @transform_1(%arg0: i32) -> (i32, i32) {
    %c0_i32 = arith.constant 0 : i32
    %c0_i32_0 = arith.constant 0 : i32
    return %arg0, %c0_i32 : i32, i32
  }
  func.func @transform_2(%arg0: i32) -> (i32, i32) {
    %c0_i32 = arith.constant 0 : i32
    %c0_i32_0 = arith.constant 0 : i32
    return %arg0, %c0_i32 : i32, i32
  }
  func.func @transform_3(%arg0: i32) -> (i32, i32, i32) {
    %c0_i32 = arith.constant 0 : i32
    %c0_i32_0 = arith.constant 0 : i32
    %c0_i32_1 = arith.constant 0 : i32
    return %arg0, %c0_i32, %c0_i32_0 : i32, i32, i32
  }
  func.func @transform_4(%arg0: i32) -> (i32, i32) {
    %c0_i32 = arith.constant 0 : i32
    %c0_i32_0 = arith.constant 0 : i32
    return %arg0, %c0_i32 : i32, i32
  }
}

</mosaic_0001>

<sc_bundles>
// kernel: _run.10.cloned.1.call-start
scs
__scs_entry_jumppad:
0x0: {  	(pc) =	sbr.rel $0x88, $3  }
0x1: {  	(tag) =	ssettag $0x0;
	lr =	simm.s32 $0x1  }
0x2: {  	[smem:$0x3F8E] =	sst lr;
	_ =	strace $0xD0000000  }
0x3: {  	_ = 	snop  }
0x4: {  	_ = 	snop  }
0x5: {  	_ = 	snop  }
0x6: {  	_ = 	snop  }
0x7: {  	_ = 	snop  }
__scs_overlays_trampoline_lowered:
0x8: {  	[smem:$0x3F9D] =	sst s0  }
0x9: {  	[smem:$0x3F9E] =	sst s1  }
0xa: {  	[smem:$0x3F9F] =	sst s2  }
0xb: {  	[smem:$0x3FA0] =	sst s3  }
0xc: {  	[smem:$0x3FA1] =	sst s4  }
0xd: {  	[smem:$0x3FA2] =	sst s5  }
0xe: {  	[smem:$0x3FA3] =	sst s6  }
0xf: {  	[smem:$0x3FA4] =	sst s7  }
0x10: {  	[smem:$0x3FA5] =	sst s8  }
0x11: {  	[smem:$0x3FA6] =	sst s9;
	s0 =	simm.s32 @!p0 $0x0  }
0x12: {  	s1 =	sld [smem:$0x3F8C];
	s0 =	simm.s32 @p0 $0x1  }
0x13: {  	[smem:$0x3FA7] =	sst s0;
	s0 =	simm.s32 @!p1 $0x0  }
0x14: {  	s2 =	sld [smem:$0x3F8B];
	s0 =	simm.s32 @p1 $0x1  }
0x15: {  	[smem:$0x3FA8] =	sst s0;
	s0 =	simm.s32 @!p2 $0x0  }
0x16: {  	s3 =	sld [smem:$0x3FDB];
	s0 =	simm.s32 @p2 $0x1  }
0x17: {  	s4 =	simm.s32 $0x1BF5;
	[smem:$0x3FAA] =	sst s0  }
0x18: {  	s0 =	sld [smem:$0x3F8D];
	_ =	swait.ge [sflag:s4], $0x0  }
0x19: {  	s7 =	sld [smem:$0x3F8E]  }
0x1a: {  	s8 =	sadd.s32 $0xFFFFE003, lr  }
0x1b: {  	s9 =	sadd.s32 $0xFFFFFEF7, lr;
	s5 =	simm.s32 $0xFFFFFFFF;
	p2 =	slt.u32 s8, $0xFFFFF086  }
0x1c: {  	p1 =	slt.u32 s9, $0xF7A;
	s5 =	simm.s32 @!p2 $0x0  }
0x1d: {  	s5 =	simm.s32 @p1 $0x1;
	p0 =	seq.s32 s7, s2  }
0x1e: {  	s7 =	smul.u32 @!p0 $0xF7A, s2;
	p2 =	seq.s32 @!p0 s5, $0x0  }
0x1f: {  	s9 =	smul.u32 $0xF7A, s1;
	s8 =	simm.s32 @!p0 $0x1BF5;
	p2 =	por !p2, p0  }
0x20: {  	[sflag:s8] =	ssyncset.s32 @!p0 $0xFFFFF086;
	s6 =	sadd.s32 @!p0 s3, s7;
	s7 =	simm.s32 @!p0 $0x108  }
0x21: {  	s3 =	sadd.s32 s3, s9;
	s6 =	sadd.s32 @!p0 $0x88, s6;
	s7 =	simm.s32 @p2 $0x1082  }
0x22: {  	[simem:s7], [sflag:s8] =	dma.local @!p0 [hbm:s6], $0xF7A  }
0x23: {  	s9 =	sor.u32 $0xD0000000, s2;
	s6 =	simm.s32 $0x108;
	_ =	swait.ge @!p0 [sflag:s8], $0x0  }
0x24: {  	s3 =	sadd.s32 $0x88, s3;
	s6 =	simm.s32 @!p1 $0x1082;
	[sflag:s4] =	ssyncset.s32 $0xFFFFF086  }
0x25: {  	[simem:s6], [sflag:s4] =	dma.local [hbm:s3], $0xF7A  }
0x26: {  	[smem:$0x3F8E] =	sst s1;
	(tag) =	ssettag s2;
	_ =	strace s9  }
0x27: {  	s1 =	sld [smem:$0x3F9E]  }
0x28: {  	s2 =	sld [smem:$0x3F9F]  }
0x29: {  	s4 =	sld [smem:$0x3FA1]  }
0x2a: {  	p0 =	seq.s32 s5, $0x0;
	s5 =	sld [smem:$0x3FA2]  }
0x2b: {  	s6 =	sld [smem:$0x3FA3]  }
0x2c: {  	s7 =	sld [smem:$0x3FA4]  }
0x2d: {  	s3 =	simm.s32 $0x108;
	s8 =	sld [smem:$0x3FA5]  }
0x2e: {  	s3 =	simm.s32 @!p0 $0x1082;
	s9 =	sld [smem:$0x3FA6]  }
0x2f: {  	lr =	sadd.s32 s0, s3;
	s0 =	sld [smem:$0x3F9D]  }
0x30: {  	s3 =	sld [smem:$0x3FA0]  }
0x31: {  	[smem:$0x3FA9] =	sst s10  }
0x32: {  	s10 =	sld [smem:$0x3FA7];
	_ =	sdelay $0x3  }
0x33: {  	p0 =	seq.s32 s10, $0x1;
	s10 =	sld [smem:$0x3FA9];
	_ =	sdelay $0x3  }
0x34: {  	[smem:$0x3FA9] =	sst s10  }
0x35: {  	s10 =	sld [smem:$0x3FA8];
	_ =	sdelay $0x3  }
0x36: {  	p1 =	seq.s32 s10, $0x1;
	s10 =	sld [smem:$0x3FA9];
	_ =	sdelay $0x3  }
0x37: {  	[smem:$0x3FA9] =	sst s10  }
0x38: {  	s10 =	sld [smem:$0x3FAA]  }
0x39: {  	_ = 	snop;
	(pc) =	sbr.ind lr, $3  }
0x3a: {  	_ = 	snop  }
0x3b: {  	_ = 	snop  }
0x3c: {  	p2 =	seq.s32 s10, $0x1;
	s10 =	sld [smem:$0x3FA9]  }
0x3d: {  	_ =	shalt  }
0x3e: {  	_ =	shalt  }
0x3f: {  	_ =	shalt  }
0x40: {  	_ =	shalt  }
0x41: {  	_ =	shalt  }
0x42: {  	_ =	shalt  }
0x43: {  	_ =	shalt  }
0x44: {  	_ =	shalt  }
0x45: {  	_ =	shalt  }
0x46: {  	_ =	shalt  }
0x47: {  	_ =	shalt  }
0x48: {  	_ =	shalt  }
0x49: {  	_ =	shalt  }
0x4a: {  	_ =	shalt  }
0x4b: {  	_ =	shalt  }
0x4c: {  	_ =	shalt  }
0x4d: {  	_ =	shalt  }
0x4e: {  	_ =	shalt  }
0x4f: {  	_ =	shalt  }
0x50: {  	_ =	shalt  }
0x51: {  	_ =	shalt  }
0x52: {  	_ =	shalt  }
0x53: {  	_ =	shalt  }
0x54: {  	_ =	shalt  }
0x55: {  	_ =	shalt  }
0x56: {  	_ =	shalt  }
0x57: {  	_ =	shalt  }
0x58: {  	_ =	shalt  }
0x59: {  	_ =	shalt  }
0x5a: {  	_ =	shalt  }
0x5b: {  	_ =	shalt  }
0x5c: {  	_ =	shalt  }
0x5d: {  	_ =	shalt  }
0x5e: {  	_ =	shalt  }
0x5f: {  	_ =	shalt  }
0x60: {  	_ =	shalt  }
0x61: {  	_ =	shalt  }
0x62: {  	_ =	shalt  }
0x63: {  	_ =	shalt  }
0x64: {  	_ =	shalt  }
0x65: {  	_ =	shalt  }
0x66: {  	_ =	shalt  }
0x67: {  	_ =	shalt  }
0x68: {  	_ =	shalt  }
0x69: {  	_ =	shalt  }
0x6a: {  	_ =	shalt  }
0x6b: {  	_ =	shalt  }
0x6c: {  	_ =	shalt  }
0x6d: {  	_ =	shalt  }
0x6e: {  	_ =	shalt  }
0x6f: {  	_ =	shalt  }
0x70: {  	_ =	shalt  }
0x71: {  	_ =	shalt  }
0x72: {  	_ =	shalt  }
0x73: {  	_ =	shalt  }
0x74: {  	_ =	shalt  }
0x75: {  	_ =	shalt  }
0x76: {  	_ =	shalt  }
0x77: {  	_ =	shalt  }
0x78: {  	_ =	shalt  }
0x79: {  	_ =	shalt  }
0x7a: {  	_ =	shalt  }
0x7b: {  	_ =	shalt  }
0x7c: {  	_ =	shalt  }
0x7d: {  	_ =	shalt  }
0x7e: {  	_ =	shalt  }
0x7f: {  	_ =	shalt  }
0x80: {  	_ =	shalt  }
0x81: {  	_ =	shalt  }
0x82: {  	_ =	shalt  }
0x83: {  	_ =	shalt  }
0x84: {  	_ =	shalt  }
0x85: {  	_ =	shalt  }
0x86: {  	_ =	shalt  }
0x87: {  	_ =	shalt  }
.Lfunc_end0:
.L_simem_size_0:
called_computation_lowered:
.L_overlay_start_0:
0x88: {  	s2 =	sld [smem:$0x3FD9]  }
0x89: {  	s3 =	sld [smem:$0x3FFE];
	_ =	sdelay $0x1  }
0x8a: {  	s1 =	srdreg.scid  }
0x8b: {  	s0 =	sand.u32 $0x1, s1  }
0x8c: {  	s14 =	sshll.u32 s0, $0xA;
	s2 =	sadd.s32 s3, s2  }
0x8d: {  	s2 =	sadd.s32 s2, s14  }
0x8e: {  	[smem:$0x3FB5] =	sst s2  }
0x8f: {  	_ = 	snop  }
0x90: {  	s2 =	sld [smem:$0x3FD0];
	_ =	sdelay $0x2  }
0x91: {  	s15 =	simm.s32 $0xA;
	s4 =	simm.s32 $0x10  }
0x92: {  	[smem:s4], [sflag:s15] =	dma.local [hbm:s2], $0x1  }
0x93: {  	_ =	swait.eq [sflag:s15], $0x1  }
0x94: {  	[sflag:s15] =	ssyncset.done $0x0  }
0x95: {  	[sflag:s15] =	ssyncadd.s32 $0xFFFFFFFF  }
0x96: {  	s16 =	sld [smem:$0x11];
	(tm) =	ssettm $0x1  }
0x97: {  	s17 =	sld [smem:$0x3FFB];
	_ =	sdelay $0x3  }
0x98: {  	_ =	strace s17  }
0x99: {  	s3 =	sld [smem:$0x3FFC];
	_ =	sdelay $0x3  }
0x9a: {  	_ =	strace s3  }
0x9b: {  	s3 =	sld [smem:$0x3FFD];
	_ =	sdelay $0x3  }
0x9c: {  	_ =	strace s3  }
0x9d: {  	_ =	strace $0x8FFFFFFF  }
0x9e: {  	s18 =	sld [smem:$0x3FDB];
	_ =	sdelay $0x1  }
0x9f: {  	s19 =	simm.s32 $_scs_section_size  }
0xa0: {  	s5 =	simm.s32 $_size__tile_overlayer_lowered;
	s6 =	simm.s32 $_tile_overlayer_lowered  }
0xa1: {  	s22 =	simm.s32 $0x1BFF;
	s21 =	sshll.u32 s6, $0x1;
	s3 =	sadd.s32 s19, s18  }
0xa2: {  	s7 =	simm.s32 $0x0;
	s20 =	sshll.u32 s5, $0x1;
	s5 =	sadd.s32 s21, s3  }
0xa3: {  	[timem:s7], [sflag:s22] =	dma.local [hbm:s5], s20  }
0xa4: {  	_ =	swait.ge [sflag:s22], s20  }
0xa5: {  	s4 =	ssub.s32 $0x0, s20;
	[sflag:s22] =	ssyncset.done $0x0  }
0xa6: {  	[sflag:s22] =	ssyncadd.s32 s4;
	_ =	sdelay $0x1  }
0xa7: {  	s23 =	simm.s32 $0x1B8B  }
0xa8: {  	_ =	swait.ge [sflag:s23], $0x1  }
0xa9: {  	[sflag:s23] =	ssyncset.done $0x0  }
0xaa: {  	s25 =	simm.s32 $0x1B8E;
	s24 =	sld [smem:$0x3FFE];
	[sflag:s23] =	ssyncadd.s32 $0xFFFFFFFF  }
0xab: {  	s26 =	simm.s32 $execute0_lowered;
	[smem:$0x3FD2] =	sst s25  }
0xac: {  	s5 =	sshll.u32 s26, $0x1;
	_ =	strace $0x80000046;
	[dreg:$0x1] =	wrdreg $0xFFFFFFFF  }
0xad: {  	s28 =	simm.s32 $_size_execute0_lowered;
	s3 =	sadd.s32 s3, s5;
	[dreg:$0x0] =	wrdreg $0x0  }
0xae: {  	s5 =	sshll.u32 s28, $0x1;
	[dreg:$0x2] =	wrdreg s3  }
0xaf: {  	[dreg:$0x3] =	wrdreg s5  }
0xb0: {  	[dreg:$0x4] =	wrdreg $0xC0  }
0xb1: {  	_ =	task [dreg:s7], $0x5FFFF  }
0xb2: {  	[dreg:$0x1] =	wrdreg $0xFFFFFFFF  }
0xb3: {  	[dreg:$0x0] =	wrdreg $0x60  }
0xb4: {  	[dreg:$0x2] =	wrdreg s24  }
0xb5: {  	[dreg:$0x3] =	wrdreg s16  }
0xb6: {  	[dreg:$0x4] =	wrdreg $0x9  }
0xb7: {  	_ =	task.clear_ibuf [dreg:s7], $0x5FFFF;
	_ =	strace $0x90000046  }
0xb8: {  	s29 =	simm.s32 $0x9;
	_ =	strace $0x80000048  }
0xb9: {  	_ =	swait.ge [sflag:s29], $0x1  }
0xba: {  	[sflag:s29] =	ssyncadd.s32 $0xFFFFFFFF  }
0xbb: {  	_ =	strace $0x90000048  }
0xbc: {  	_ =	sfence  }
0xbd: {  	s30 =	sld [smem:$0x0];
	_ =	sdelay $0x2  }
0xbe: {  	s31 =	sshll.u32 s1, $0xD;
	s1 =	sshrl.u32 s1, $0x2  }
0xbf: {  	s3 =	sand.u32 $0x4000, s31;
	s1 =	sadd.s32 s1, s30  }
0xc0: {  	s0 =	sor.u32 s3, s0;
	s1 =	sshll.u32 s1, $0x11  }
0xc1: {  	s0 =	sor.u32 s1, s0  }
0xc2: {  	s0 =	sadd.s32 $0x8F2B, s0  }
0xc3: {  	[sflag:s0] =	ssyncadd.remote.s32 $0x1  }
0xc4: {  	_ =	sfence.sel $0xFFFF  }
0xc5: {  	[dreg:$0x0] =	wrdreg $0xFFFFFFFF;
	(pc) =	sbr.abs _section_cstart, $3  }
0xc6: {  	[dreg:$0x1] =	wrdreg $0xFFFFFFFF  }
0xc7: {  	_ =	task.clear_ibuf [dreg:s7], $0x2FFFF;
	_ =	strace $0x9FFFFFFF  }
0xc8: {  	(tm) =	ssettm $0x7FFFFFFF  }
0xc9: {  	_ =	shalt  }
tec
execute0_lowered:
.L_overlay_start_1:
0x0: {  	(tag) =	ssettag $0x1  }
0x1: {  	s4 =	rddreg [dreg:$0x0]  }
0x2: {  	s5 =	rddreg [dreg:$0x1]  }
0x3: {  	s0 =	rddreg [dreg:$0x2];
	s3 =	srdreg.scid  }
0x4: {  	s2 =	simm.s32 $0x0;
	s1 =	stileid.u32;
	s10 =	simm.s32 $0x1080  }
0x5: {  	s11 =	simm.s32 $0x1880;
	s12 =	simm.s32 $0x2080;
	s13 =	simm.s32 $0x2880  }
0x6: {  	s14 =	simm.s32 $0x3080;
	s15 =	simm.s32 $0x3880;
	s16 =	simm.s32 $0x4080  }
0x7: {  	s17 =	simm.s32 $0x4880;
	s18 =	simm.s32 $0x5080;
	s19 =	simm.s32 $0x5880  }
0x8: {  	s20 =	simm.s32 $0x6080;
	s21 =	simm.s32 $0x6880;
	s22 =	simm.s32 $0x7080  }
0x9: {  	s23 =	simm.s32 $0x7880;
	s24 =	simm.s32 $0x1;
	s3 =	sand.u32 $0x1, s3  }
0xa: {  	[smem:$0x7FF] =	sst s2;
	s6 =	sshll.u32 s1, $0x8;
	s7 =	sshll.u32 s3, $0x7  }
0xb: {  	_ =	strace $0x80000047;
	s30 =	ssub.s32 $0x2, s3;
	s6 =	sor.u32 s7, s6  }
0xc: {  	s3 =	sadd.s32 $0x240000, s4;
	s9 =	sshrl.u32 s30, $0x1;
	s8 =	sshll.u32 s6, $0x5  }
0xd: {  	v2 =	vlaneseq.u32;
	s7 =	ssub.s32 s30, s9;
	s31 =	sshrl.u32 s6, $0x3;
	s9 =	simm.s32 $0x880  }
0xe: {  	vm0 =	vmmov $0xffff;
	v1 =	vshrl.u32 v2, $0x3;
	s8 =	sadd.s32 s8, s4;
	s4 =	sadd.s32 s5, s31;
	s6 =	smax.u32 s7, $0x1  }
0xf: {  	v0 =	vand.u32 $0x7, v2;
	v2 =	vor.u32 $0x8, v2;
	v1 =	vmul.u32 $0x8, v1;
	s7 =	simm.s32 $0x2;
	s5 =	sadd.s32 $0x258000, s8;
	s8 =	simm.s32 $0x80  }
.LBB2_1:
0x10: {  	[tilespmem:s2], [sflag:$0x2] =	stream.linear.gather [hbm4b:s4+s2], $0x80, $0x38;
	[tilespmem:$0x8080] =	vst v63  }
0x11: {  	_ =	swait.ge [sflag:s7], $0x80  }
0x12: {  	[sflag:s7] =	ssyncset.done $0x0  }
0x13: {  	[sflag:s7] =	ssyncadd.s32 $0xFFFFFF80  }
0x14: {  	v3 =	vld [tilespmem:$0x0];
	_ =	sdelay $0x4  }
0x15: {  	v4 =	vshll.u32 v3, $0x1  }
0x16: {  	v3 =	vand.u32 $0x7, v3;
	v4 =	vand.u32 $0xFFFFFFF0, v4  }
0x17: {  	v3 =	vor.u32 v3, v4  }
0x18: {  	v4 =	vperm.xlane v3, v0;
	_ =	sdelay $0x1  }
0x19: {  	v3 =	vperm.xlane v3, v2;
	v4 =	vadd.s32 v1, v4;
	_ =	sdelay $0x1  }
0x1a: {  	v3 =	vadd.s32 v1, v3;
	_ =	sdelay $0x2  }
0x1b: {  	[tilespmem:s8], [sflag:$0x1] =	stream.indirect_vreg.gather [hbm4b:s3+s2], $0x80, v4, vm0, $0xb8;
	[tilespmem:$0x8080] =	vst v63  }
0x1c: {  	_ = 	snop  }
0x1d: {  	[tilespmem:s9], [sflag:$0x1] =	stream.indirect_vreg.gather [hbm4b:s3+s2], $0x80, v3, vm0, $0xb8;
	[tilespmem:$0x8080] =	vst v63  }
0x1e: {  	v3 =	vld [tilespmem:$0x10];
	_ =	sdelay $0x4  }
0x1f: {  	v57 =	vshll.u32 v3, $0x1  }
0x20: {  	v3 =	vand.u32 $0x7, v3;
	v4 =	vand.u32 $0xFFFFFFF0, v57  }
0x21: {  	v3 =	vor.u32 v3, v4  }
0x22: {  	v4 =	vperm.xlane v3, v0;
	_ =	sdelay $0x1  }
0x23: {  	v3 =	vperm.xlane v3, v2;
	v4 =	vadd.s32 v1, v4;
	_ =	sdelay $0x1  }
0x24: {  	v3 =	vadd.s32 v1, v3;
	_ =	sdelay $0x2  }
0x25: {  	[tilespmem:s10], [sflag:$0x1] =	stream.indirect_vreg.gather [hbm4b:s3+s2], $0x80, v4, vm0, $0xb8;
	[tilespmem:$0x8080] =	vst v63  }
0x26: {  	_ = 	snop  }
0x27: {  	[tilespmem:s11], [sflag:$0x1] =	stream.indirect_vreg.gather [hbm4b:s3+s2], $0x80, v3, vm0, $0xb8;
	[tilespmem:$0x8080] =	vst v63  }
0x28: {  	v3 =	vld [tilespmem:$0x20];
	_ =	sdelay $0x4  }
0x29: {  	v58 =	vshll.u32 v3, $0x1  }
0x2a: {  	v3 =	vand.u32 $0x7, v3;
	v4 =	vand.u32 $0xFFFFFFF0, v58  }
0x2b: {  	v3 =	vor.u32 v3, v4  }
0x2c: {  	v4 =	vperm.xlane v3, v0;
	_ =	sdelay $0x1  }
0x2d: {  	v3 =	vperm.xlane v3, v2;
	v4 =	vadd.s32 v1, v4;
	_ =	sdelay $0x1  }
0x2e: {  	v3 =	vadd.s32 v1, v3;
	_ =	sdelay $0x2  }
0x2f: {  	[tilespmem:s12], [sflag:$0x1] =	stream.indirect_vreg.gather [hbm4b:s3+s2], $0x80, v4, vm0, $0xb8;
	[tilespmem:$0x8080] =	vst v63  }
0x30: {  	_ = 	snop  }
0x31: {  	[tilespmem:s13], [sflag:$0x1] =	stream.indirect_vreg.gather [hbm4b:s3+s2], $0x80, v3, vm0, $0xb8;
	[tilespmem:$0x8080] =	vst v63  }
0x32: {  	v3 =	vld [tilespmem:$0x30];
	_ =	sdelay $0x4  }
0x33: {  	v59 =	vshll.u32 v3, $0x1  }
0x34: {  	v3 =	vand.u32 $0x7, v3;
	v4 =	vand.u32 $0xFFFFFFF0, v59  }
0x35: {  	v3 =	vor.u32 v3, v4  }
0x36: {  	v4 =	vperm.xlane v3, v0;
	_ =	sdelay $0x1  }
0x37: {  	v3 =	vperm.xlane v3, v2;
	v4 =	vadd.s32 v1, v4;
	_ =	sdelay $0x1  }
0x38: {  	v3 =	vadd.s32 v1, v3;
	_ =	sdelay $0x2  }
0x39: {  	[tilespmem:s14], [sflag:$0x1] =	stream.indirect_vreg.gather [hbm4b:s3+s2], $0x80, v4, vm0, $0xb8;
	[tilespmem:$0x8080] =	vst v63  }
0x3a: {  	_ = 	snop  }
0x3b: {  	[tilespmem:s15], [sflag:$0x1] =	stream.indirect_vreg.gather [hbm4b:s3+s2], $0x80, v3, vm0, $0xb8;
	[tilespmem:$0x8080] =	vst v63  }
0x3c: {  	v3 =	vld [tilespmem:$0x40];
	_ =	sdelay $0x4  }
0x3d: {  	v60 =	vshll.u32 v3, $0x1  }
0x3e: {  	v3 =	vand.u32 $0x7, v3;
	v4 =	vand.u32 $0xFFFFFFF0, v60  }
0x3f: {  	v3 =	vor.u32 v3, v4  }
0x40: {  	v4 =	vperm.xlane v3, v0;
	_ =	sdelay $0x1  }
0x41: {  	v3 =	vperm.xlane v3, v2;
	v4 =	vadd.s32 v1, v4;
	_ =	sdelay $0x1  }
0x42: {  	v3 =	vadd.s32 v1, v3;
	_ =	sdelay $0x2  }
0x43: {  	[tilespmem:s16], [sflag:$0x1] =	stream.indirect_vreg.gather [hbm4b:s3+s2], $0x80, v4, vm0, $0xb8;
	[tilespmem:$0x8080] =	vst v63  }
0x44: {  	_ = 	snop  }
0x45: {  	[tilespmem:s17], [sflag:$0x1] =	stream.indirect_vreg.gather [hbm4b:s3+s2], $0x80, v3, vm0, $0xb8;
	[tilespmem:$0x8080] =	vst v63  }
0x46: {  	v3 =	vld [tilespmem:$0x50];
	_ =	sdelay $0x4  }
0x47: {  	v61 =	vshll.u32 v3, $0x1  }
0x48: {  	v3 =	vand.u32 $0x7, v3;
	v4 =	vand.u32 $0xFFFFFFF0, v61  }
0x49: {  	v3 =	vor.u32 v3, v4  }
0x4a: {  	v4 =	vperm.xlane v3, v0;
	_ =	sdelay $0x1  }
0x4b: {  	v3 =	vperm.xlane v3, v2;
	v4 =	vadd.s32 v1, v4;
	_ =	sdelay $0x1  }
0x4c: {  	v3 =	vadd.s32 v1, v3;
	_ =	sdelay $0x2  }
0x4d: {  	[tilespmem:s18], [sflag:$0x1] =	stream.indirect_vreg.gather [hbm4b:s3+s2], $0x80, v4, vm0, $0xb8;
	[tilespmem:$0x8080] =	vst v63  }
0x4e: {  	_ = 	snop  }
0x4f: {  	[tilespmem:s19], [sflag:$0x1] =	stream.indirect_vreg.gather [hbm4b:s3+s2], $0x80, v3, vm0, $0xb8;
	[tilespmem:$0x8080] =	vst v63  }
0x50: {  	v3 =	vld [tilespmem:$0x60];
	_ =	sdelay $0x4  }
0x51: {  	v62 =	vshll.u32 v3, $0x1  }
0x52: {  	v3 =	vand.u32 $0x7, v3;
	v4 =	vand.u32 $0xFFFFFFF0, v62  }
0x53: {  	v3 =	vor.u32 v3, v4  }
0x54: {  	v4 =	vperm.xlane v3, v0;
	_ =	sdelay $0x1  }
0x55: {  	v3 =	vperm.xlane v3, v2;
	v4 =	vadd.s32 v1, v4;
	_ =	sdelay $0x1  }
0x56: {  	v3 =	vadd.s32 v1, v3;
	_ =	sdelay $0x2  }
0x57: {  	[tilespmem:s20], [sflag:$0x1] =	stream.indirect_vreg.gather [hbm4b:s3+s2], $0x80, v4, vm0, $0xb8;
	[tilespmem:$0x8080] =	vst v63  }
0x58: {  	_ = 	snop  }
0x59: {  	[tilespmem:s21], [sflag:$0x1] =	stream.indirect_vreg.gather [hbm4b:s3+s2], $0x80, v3, vm0, $0xb8;
	[tilespmem:$0x8080] =	vst v63  }
0x5a: {  	v3 =	vld [tilespmem:$0x70];
	_ =	sdelay $0x4  }
0x5b: {  	v63 =	vshll.u32 v3, $0x1  }
0x5c: {  	v3 =	vand.u32 $0x7, v3;
	v4 =	vand.u32 $0xFFFFFFF0, v63  }
0x5d: {  	v3 =	vor.u32 v3, v4  }
0x5e: {  	v4 =	vperm.xlane v3, v0;
	_ =	sdelay $0x1  }
0x5f: {  	v3 =	vperm.xlane v3, v2;
	v4 =	vadd.s32 v1, v4;
	_ =	sdelay $0x1  }
0x60: {  	v3 =	vadd.s32 v1, v3;
	_ =	sdelay $0x2  }
0x61: {  	[tilespmem:s22], [sflag:$0x1] =	stream.indirect_vreg.gather [hbm4b:s3+s2], $0x80, v4, vm0, $0xb8;
	[tilespmem:$0x8080] =	vst v63  }
0x62: {  	_ = 	snop  }
0x63: {  	[tilespmem:s23], [sflag:$0x1] =	stream.indirect_vreg.gather [hbm4b:s3+s2], $0x80, v3, vm0, $0xb8;
	[tilespmem:$0x8080] =	vst v63  }
0x64: {  	_ =	swait.ge [sflag:s24], $0x8000  }
0x65: {  	p0 =	sne.s32 s6, $0x1;
	[sflag:s24] =	ssyncset.done $0x0  }
.Ltmp0:
0x66: {  	[sflag:s24] =	ssyncadd.s32 $0xFFFF8000;
	(pc) =	sbr.rel @p0 .LBB2_1-.Ltmp0, $4  }
0x67: {  	[hbm4b:s5+s2] =	stream.linear.scatter [tilespmem:s8], [sflag:$0x2], $0x8000, $0x38;
	[tilespmem:$0x8080] =	vst v63  }
0x68: {  	_ =	swait.ge [sflag:s7], $0x8000  }
0x69: {  	[sflag:s7] =	ssyncset.done $0x0  }
0x6a: {  	s6 =	sadd.s32 $0xFFFFFFFF, s6;
	[sflag:s7] =	ssyncadd.s32 $0xFFFF8000  }
0x6b: {  	_ =	sfence.sel $0x180000  }
0x6c: {  	[bflag:$0x0] =	sbarrier.arrive $0xFFFF  }
0x6d: {  	p0 =	sne.s32 s1, $0x0;
	_ =	strace $0x90000047  }
0x6e: {  	s0 =	sadd.s32 @!p0 $0x100000, s0;
	[bflag:$0x2] =	sbarrier.arrive $0xFFFF  }
0x6f: {  	[sflag:s0] =	ssyncadd.tile.s32 @!p0 $0x1;
	_ =	shalt  }
.Lfunc_end2:
_tile_overlayer_lowered:
.L_overlay_start_2:
0x70: {  	(tag) =	ssettag $0x2  }
0x71: {  	s0 =	rddreg [dreg:$0x0];
	s2 =	stileid.u32  }
0x72: {  	s1 =	rddreg [dreg:$0x1];
	p0 =	sne.s32 s2, $0x0  }
0x73: {  	s3 =	rddreg [dreg:$0x2];
	[bflag:$0x3] =	sbarrier.arrive $0xFFFF;
	s2 =	simm.s32 @!p0 $0x1C02  }
0x74: {  	[timem:s3], [sflag:s2] =	dma.local @!p0 [hbm:s0], s1  }
0x75: {  	s0 =	simm.s32 @!p0 $0x2  }
0x76: {  	_ =	swait.ge @!p0 [sflag:s0], s1  }
0x77: {  	s1 =	ssub.s32 @!p0 $0x0, s1;
	[sflag:s0] =	ssyncset.done @!p0 $0x0  }
0x78: {  	[sflag:s0] =	ssyncadd.s32 @!p0 s1  }
0x79: {  	[bflag:$0x3] =	sbarrier.arrive $0xFFFF  }
0x7a: {  	_ =	shalt  }

</sc_bundles>
